<compile_context>
chip_gen: v7x
topology: tpu7x:2x2x1
jax: 0.10.2.dev20260603
libtpu: 0.0.44.dev20260713+nightly
codegen_flags: <defaults>
</compile_context>

<pallas_src>
import functools

import jax
import jax.numpy as jnp
from jax.experimental import pallas as pl
from jax.experimental.pallas import tpu as pltpu
from jax.experimental.pallas import tpu_sc as plsc

_B = 1024
_F = 32
_C = 100000
_INV_T = 20.0
_CHUNK = 20000
_NCHUNK = _C // _CHUNK
_SUB = 32
_SUBROWS = _CHUNK // _SUB

_PACK = 128 // _F
_NW = 16
_B_PER_W = _B // _NW
_L = 16


def _sc_gather_kernel(idx_hbm, table_hbm, out_hbm, idx_v, idx4_v, rows_v,
                      sem):
    wid = jax.lax.axis_index("s") + jax.lax.axis_index("c") * 0
    base = wid * _B_PER_W
    pltpu.sync_copy(idx_hbm.at[pl.ds(base, _B_PER_W)], idx_v)
    for h in range(_B_PER_W // _L):
        sl = pl.ds(h * _L, _L)
        idx4_v[sl] = jax.lax.shift_right_logical(idx_v[sl], 2)
    pltpu.async_copy(table_hbm.at[idx4_v], rows_v, sem).wait()
    pltpu.sync_copy(rows_v, out_hbm.at[pl.ds(base, _B_PER_W)])


def _gather_rows(targets, bank128):
    mesh = plsc.VectorSubcoreMesh(core_axis_name="c", subcore_axis_name="s", num_cores=1)
    run = functools.partial(
        pl.kernel,
        mesh=mesh,
        out_type=jax.ShapeDtypeStruct((_B, _PACK * _F), jnp.float32),
        scratch_types=[
            pltpu.VMEM((_B_PER_W,), jnp.int32),
            pltpu.VMEM((_B_PER_W,), jnp.int32),
            pltpu.VMEM((_B_PER_W, _PACK * _F), jnp.float32),
            pltpu.SemaphoreType.DMA,
        ],
    )(_sc_gather_kernel)
    return run(targets, bank128)


_LOG2E = 1.4426950408889634


def _ce_kernel(inputs_ref, targets_ref, gathered_ref, bank_ref, diff_ref,
               xn_ref, m_ref, s_ref):
    c = pl.program_id(0)

    @pl.when(c == 0)
    def _init():
        x = inputs_ref[...]
        n2 = jnp.sum(x * x, axis=1, keepdims=True)
        xn_ref[...] = x * (_INV_T * _LOG2E / jnp.maximum(jnp.sqrt(n2), 1e-12))
        m_ref[...] = jnp.full((1, _B), -1e30, jnp.float32)
        s_ref[...] = jnp.zeros((1, _B), jnp.float32)

    xn = xn_ref[...]
    m = m_ref[...]
    s = s_ref[...]
    for t in range(_SUB):
        logits = jax.lax.dot_general(
            bank_ref[t * _SUBROWS:(t + 1) * _SUBROWS, :], xn,
            (((1,), (1,)), ((), ())),
            preferred_element_type=jnp.float32)
        m_new = jnp.maximum(m, jnp.max(logits, axis=0, keepdims=True))
        s = (s * jnp.exp2(m - m_new)
             + jnp.sum(jnp.exp2(logits - m_new), axis=0, keepdims=True))
        m = m_new
    m_ref[...] = m
    s_ref[...] = s

    @pl.when(c == _NCHUNK - 1)
    def _fin():
        lse = 0.6931471805599453 * m_ref[...] + jnp.log(s_ref[...])
        tmod = targets_ref[...] & (_PACK - 1)
        g4 = gathered_ref[...]
        p = jnp.zeros((_B, 1), jnp.float32)
        for k in range(_PACK):
            dk = jnp.sum(xn * g4[:, k * _F:(k + 1) * _F], axis=1,
                         keepdims=True)
            p = jnp.where(tmod == k, dk, p)
        diff_ref[...] = lse - jnp.transpose(p) * (1.0 / _LOG2E)


def kernel(backbone_inputs, inputs, targets, features_bank):
    del backbone_inputs
    tgt = targets.astype(jnp.int32)
    bank128 = features_bank.reshape(_C // _PACK, _PACK * _F)
    gathered = _gather_rows(tgt, bank128)
    diff = pl.pallas_call(
        _ce_kernel,
        grid=(_NCHUNK,),
        in_specs=[
            pl.BlockSpec((_B, _F), lambda c: (0, 0)),
            pl.BlockSpec((_B, 1), lambda c: (0, 0)),
            pl.BlockSpec((_B, _PACK * _F), lambda c: (0, 0)),
            pl.BlockSpec((_CHUNK, _F), lambda c: (c, 0)),
        ],
        out_specs=pl.BlockSpec((1, _B), lambda c: (0, 0)),
        out_shape=jax.ShapeDtypeStruct((1, _B), jnp.float32),
        scratch_shapes=[
            pltpu.VMEM((_B, _F), jnp.float32),
            pltpu.VMEM((1, _B), jnp.float32),
            pltpu.VMEM((1, _B), jnp.float32),
        ],
    )(inputs, tgt.reshape(_B, 1), gathered, features_bank)
    return jnp.mean(diff)

# --- scband reference (transcript-rebuilt; emitter-appended) ---
"""Pipeline reference for scband-memory-bank-91182155694387 (READ-ONLY COPY).

The authoritative reference and input builder live on the scoring server;
editing this copy changes nothing except your own understanding.
"""

import jax, jax.numpy as jnp
import numpy as np

NUM_FEATURES = 32
NUM_CLASSES = 100000
BATCH = 1024
TEMPERATURE = 0.05


def _l2_normalize(x, axis=1, eps=1e-12):
    # matches torch.nn.functional.normalize(p=2)
    norm = jnp.linalg.norm(x, axis=axis, keepdims=True)
    return x / jnp.maximum(norm, eps)


def setup_inputs(seed: int = 0) -> dict:
    key = jax.random.key(seed)
    k1, k2, k3, k4 = jax.random.split(key, 4)
    backbone_inputs = jax.random.normal(k1, (BATCH, NUM_FEATURES), dtype=jnp.float32)
    inputs = jax.random.normal(k2, (BATCH, NUM_FEATURES), dtype=jnp.float32)
    targets = jax.random.randint(k3, (BATCH,), 0, NUM_CLASSES, dtype=jnp.int32)
    # learned parameter: memory bank features, shape [num_classes, num_features]
    features_bank = jax.random.normal(k4, (NUM_CLASSES, NUM_FEATURES), dtype=jnp.float32)
    return {
        "backbone_inputs": backbone_inputs,
        "inputs": inputs,
        "targets": targets,
        "features_bank": features_bank,
    }


def reference(backbone_inputs, inputs, targets, features_bank):
    # forward of MemoryBank
    norm_inputs = _l2_normalize(inputs, axis=1)
    norm_backbone_inputs = _l2_normalize(backbone_inputs, axis=1)  # computed but unused, as in torch code
    # Memory_NoUpdate: matmul against the bank, bank receives NO gradient
    bank = jax.lax.stop_gradient(features_bank)
    contrast_outputs = norm_inputs @ bank.T  # [B, num_classes]
    contrast_outputs = contrast_outputs / TEMPERATURE
    # cross entropy (mean reduction)
    lse = jax.nn.logsumexp(contrast_outputs, axis=1)
    picked = jnp.take_along_axis(contrast_outputs, targets[:, None].astype(jnp.int32), axis=1)[:, 0]
    loss = jnp.mean(lse - picked)
    # Note: updateMemory (sequential EMA scatter into bank) is an in-place side
    # effect in torch under no_grad and does not affect the returned loss.
    return loss

if __name__ == "__main__":
    import jax
    _d = setup_inputs()
    print(jax.jit(kernel)(*tuple(_d.values())))

</pallas_src>

<mosaic_0001>
#map = affine_map<(d0, d1) -> (0)>
#map1 = affine_map<(d0, d1) -> (0, 0)>
module attributes {stable_mosaic.version = 14 : i64} {
  func.func @_sc_gather_kernel(%arg0: i32, %arg1: i32, %arg2: memref<1024xi32, #tpu.memory_space<hbm>>, %arg3: memref<25000x128xf32, #tpu.memory_space<hbm>>, %arg4: memref<1024x128xf32, #tpu.memory_space<hbm>>, %arg5: memref<64xi32, #tpu.memory_space<vmem>>, %arg6: memref<64xi32, #tpu.memory_space<vmem>>, %arg7: memref<64x128xf32, #tpu.memory_space<vmem>>, %arg8: memref<!tpu.dma_semaphore, #tpu.memory_space<semaphore_mem>>) attributes {dimension_semantics = [#tpu.dimension_semantics<core_parallel>, #tpu.dimension_semantics<subcore_parallel>], iteration_bounds = array<i64: 1, 16>, scalar_prefetch = 0 : i64, scratch_operands = 4 : i64, tpu.core_type = #tpu.core_type<sc_vector_subcore>, window_params = [{transform_indices = #map}, {transform_indices = #map1}, {transform_indices = #map1}]} {
    %mul3A = arith.constant 0 : i32
    %mul3A_0 = arith.muli %arg0, %mul3A : i32
    %add3A = arith.addi %arg1, %mul3A_0 : i32
    %mul3A_1 = arith.constant 64 : i32
    %mul3A_2 = arith.muli %add3A, %mul3A_1 : i32
    "tpu.region"() ({
      %run_scoped3A = tpu.sem_alloc : memref<!tpu.dma_semaphore, #tpu.memory_space<semaphore_mem>>
      %dma_start3A_44 = tpu.memref_slice %arg2[%mul3A_2] : memref<1024xi32, #tpu.memory_space<hbm>> -> memref<64xi32, #tpu.memory_space<hbm>>
      %dma_start3A_45 = tpu.memref_slice %arg2[%mul3A_2] : memref<1024xi32, #tpu.memory_space<hbm>> -> memref<64xi32, #tpu.memory_space<hbm>>
      tpu.enqueue_dma source(%dma_start3A_45 : memref<64xi32, #tpu.memory_space<hbm>>) target(%arg5 : memref<64xi32, #tpu.memory_space<vmem>>) target_semaphore(%run_scoped3A : memref<!tpu.dma_semaphore, #tpu.memory_space<semaphore_mem>>)
      %dma_wait3A_46 = tpu.memref_slice %arg2[%mul3A_2] : memref<1024xi32, #tpu.memory_space<hbm>> -> memref<64xi32, #tpu.memory_space<hbm>>
      %dma_wait3A_47 = tpu.memref_slice %arg2[%mul3A_2] : memref<1024xi32, #tpu.memory_space<hbm>> -> memref<64xi32, #tpu.memory_space<hbm>>
      tpu.wait_dma2 semaphore(%run_scoped3A : memref<!tpu.dma_semaphore, #tpu.memory_space<semaphore_mem>>) src(%dma_wait3A_47 : memref<64xi32, #tpu.memory_space<hbm>>) dst(%arg5 : memref<64xi32, #tpu.memory_space<vmem>>)
      tpu.yield
    }) : () -> ()
    %get3A = arith.constant 0 : index
    %get3A_3 = tpu.vector_load %arg5[%get3A] {strides = array<i32>} : memref<64xi32, #tpu.memory_space<vmem>>, vector<16xi32>,
    %get3A_4 = vector.shape_cast %get3A_3 : vector<16xi32> to vector<16xi32>
    %shift_right_logical3A = arith.constant 2 : i32
    %shift_right_logical3A_5 = vector.broadcast %shift_right_logical3A : i32 to vector<16xi32>
    %shift_right_logical3A_6 = arith.shrui %get3A_4, %shift_right_logical3A_5 : vector<16xi32>
    %swap3A = arith.constant 0 : index
    %swap3A_7 = tpu.vector_load %arg6[%swap3A] {strides = array<i32>} : memref<64xi32, #tpu.memory_space<vmem>>, vector<16xi32>,
    %swap3A_8 = vector.shape_cast %swap3A_7 : vector<16xi32> to vector<16xi32>
    %swap3A_9 = vector.shape_cast %shift_right_logical3A_6 : vector<16xi32> to vector<16xi32>
    tpu.vector_store %arg6[%swap3A], %swap3A_9 {strides = array<i32>} : memref<64xi32, #tpu.memory_space<vmem>>, vector<16xi32>,
    %get3A_10 = arith.constant 16 : index
    %get3A_11 = tpu.vector_load %arg5[%get3A_10] {strides = array<i32>} : memref<64xi32, #tpu.memory_space<vmem>>, vector<16xi32>,
    %get3A_12 = vector.shape_cast %get3A_11 : vector<16xi32> to vector<16xi32>
    %shift_right_logical3A_13 = arith.constant 2 : i32
    %shift_right_logical3A_14 = vector.broadcast %shift_right_logical3A_13 : i32 to vector<16xi32>
    %shift_right_logical3A_15 = arith.shrui %get3A_12, %shift_right_logical3A_14 : vector<16xi32>
    %swap3A_16 = arith.constant 16 : index
    %swap3A_17 = tpu.vector_load %arg6[%swap3A_16] {strides = array<i32>} : memref<64xi32, #tpu.memory_space<vmem>>, vector<16xi32>,
    %swap3A_18 = vector.shape_cast %swap3A_17 : vector<16xi32> to vector<16xi32>
    %swap3A_19 = vector.shape_cast %shift_right_logical3A_15 : vector<16xi32> to vector<16xi32>
    tpu.vector_store %arg6[%swap3A_16], %swap3A_19 {strides = array<i32>} : memref<64xi32, #tpu.memory_space<vmem>>, vector<16xi32>,
    %get3A_20 = arith.constant 32 : index
    %get3A_21 = tpu.vector_load %arg5[%get3A_20] {strides = array<i32>} : memref<64xi32, #tpu.memory_space<vmem>>, vector<16xi32>,
    %get3A_22 = vector.shape_cast %get3A_21 : vector<16xi32> to vector<16xi32>
    %shift_right_logical3A_23 = arith.constant 2 : i32
    %shift_right_logical3A_24 = vector.broadcast %shift_right_logical3A_23 : i32 to vector<16xi32>
    %shift_right_logical3A_25 = arith.shrui %get3A_22, %shift_right_logical3A_24 : vector<16xi32>
    %swap3A_26 = arith.constant 32 : index
    %swap3A_27 = tpu.vector_load %arg6[%swap3A_26] {strides = array<i32>} : memref<64xi32, #tpu.memory_space<vmem>>, vector<16xi32>,
    %swap3A_28 = vector.shape_cast %swap3A_27 : vector<16xi32> to vector<16xi32>
    %swap3A_29 = vector.shape_cast %shift_right_logical3A_25 : vector<16xi32> to vector<16xi32>
    tpu.vector_store %arg6[%swap3A_26], %swap3A_29 {strides = array<i32>} : memref<64xi32, #tpu.memory_space<vmem>>, vector<16xi32>,
    %get3A_30 = arith.constant 48 : index
    %get3A_31 = tpu.vector_load %arg5[%get3A_30] {strides = array<i32>} : memref<64xi32, #tpu.memory_space<vmem>>, vector<16xi32>,
    %get3A_32 = vector.shape_cast %get3A_31 : vector<16xi32> to vector<16xi32>
    %shift_right_logical3A_33 = arith.constant 2 : i32
    %shift_right_logical3A_34 = vector.broadcast %shift_right_logical3A_33 : i32 to vector<16xi32>
    %shift_right_logical3A_35 = arith.shrui %get3A_32, %shift_right_logical3A_34 : vector<16xi32>
    %swap3A_36 = arith.constant 48 : index
    %swap3A_37 = tpu.vector_load %arg6[%swap3A_36] {strides = array<i32>} : memref<64xi32, #tpu.memory_space<vmem>>, vector<16xi32>,
    %swap3A_38 = vector.shape_cast %swap3A_37 : vector<16xi32> to vector<16xi32>
    %swap3A_39 = vector.shape_cast %shift_right_logical3A_35 : vector<16xi32> to vector<16xi32>
    tpu.vector_store %arg6[%swap3A_36], %swap3A_39 {strides = array<i32>} : memref<64xi32, #tpu.memory_space<vmem>>, vector<16xi32>,
    %dma_start3A = arith.constant 0 : i32
    %dma_start3A_40 = arith.constant 0 : i32
    %dma_start3A_41 = tpu.memref_slice %arg3[%dma_start3A, %dma_start3A_40] : memref<25000x128xf32, #tpu.memory_space<hbm>> -> memref<25000x128xf32, #tpu.memory_space<hbm>>
    tpu.enqueue_indirect_dma source(%dma_start3A_41 : memref<25000x128xf32, #tpu.memory_space<hbm>>) target(%arg7 : memref<64x128xf32, #tpu.memory_space<vmem>>) offsets(%arg6 : memref<64xi32, #tpu.memory_space<vmem>>) semaphore(%arg8 : memref<!tpu.dma_semaphore, #tpu.memory_space<semaphore_mem>>)
    %dma_wait3A = arith.constant 0 : i32
    %dma_wait3A_42 = arith.constant 0 : i32
    %dma_wait3A_43 = tpu.memref_slice %arg3[%dma_wait3A, %dma_wait3A_42] : memref<25000x128xf32, #tpu.memory_space<hbm>> -> memref<25000x128xf32, #tpu.memory_space<hbm>>
    tpu.wait_indirect_dma semaphore(%arg8 : memref<!tpu.dma_semaphore, #tpu.memory_space<semaphore_mem>>) src(%dma_wait3A_43 : memref<25000x128xf32, #tpu.memory_space<hbm>>) dst(%arg7 : memref<64x128xf32, #tpu.memory_space<vmem>>)
    "tpu.region"() ({
      %run_scoped3A = tpu.sem_alloc : memref<!tpu.dma_semaphore, #tpu.memory_space<semaphore_mem>>
      %dma_start3A_44 = arith.constant 0 : i32
      %dma_start3A_45 = tpu.memref_slice %arg4[%mul3A_2, %dma_start3A_44] : memref<1024x128xf32, #tpu.memory_space<hbm>> -> memref<64x128xf32, #tpu.memory_space<hbm>>
      %dma_start3A_46 = arith.constant 0 : i32
      %dma_start3A_47 = tpu.memref_slice %arg4[%mul3A_2, %dma_start3A_46] : memref<1024x128xf32, #tpu.memory_space<hbm>> -> memref<64x128xf32, #tpu.memory_space<hbm>>
      tpu.enqueue_dma source(%arg7 : memref<64x128xf32, #tpu.memory_space<vmem>>) target(%dma_start3A_47 : memref<64x128xf32, #tpu.memory_space<hbm>>) target_semaphore(%run_scoped3A : memref<!tpu.dma_semaphore, #tpu.memory_space<semaphore_mem>>)
      %dma_wait3A_48 = arith.constant 0 : i32
      %dma_wait3A_49 = tpu.memref_slice %arg4[%mul3A_2, %dma_wait3A_48] : memref<1024x128xf32, #tpu.memory_space<hbm>> -> memref<64x128xf32, #tpu.memory_space<hbm>>
      %dma_wait3A_50 = arith.constant 0 : i32
      %dma_wait3A_51 = tpu.memref_slice %arg4[%mul3A_2, %dma_wait3A_50] : memref<1024x128xf32, #tpu.memory_space<hbm>> -> memref<64x128xf32, #tpu.memory_space<hbm>>
      tpu.wait_dma2 semaphore(%run_scoped3A : memref<!tpu.dma_semaphore, #tpu.memory_space<semaphore_mem>>) src(%arg7 : memref<64x128xf32, #tpu.memory_space<vmem>>) dst(%dma_wait3A_51 : memref<64x128xf32, #tpu.memory_space<hbm>>)
      tpu.yield
    }) : () -> ()
    return
  }
}

module attributes {stable_mosaic.version = 14 : i64} {
  func.func @_ce_kernel(%arg0: i32, %arg1: memref<1024x32xf32, #tpu.memory_space<vmem>>, %arg2: memref<1024x1xi32, #tpu.memory_space<vmem>>, %arg3: memref<1024x128xf32, #tpu.memory_space<vmem>>, %arg4: memref<20000x32xf32, #tpu.memory_space<vmem>>, %arg5: memref<1x1024xf32, #tpu.memory_space<vmem>>, %arg6: memref<1024x32xf32, #tpu.memory_space<vmem>>, %arg7: memref<1x1024xf32, #tpu.memory_space<vmem>>, %arg8: memref<1x1024xf32, #tpu.memory_space<vmem>>) attributes {dimension_semantics = [#tpu.dimension_semantics<arbitrary>], iteration_bounds = array<i64: 5>, scalar_prefetch = 0 : i64, scratch_operands = 3 : i64, tpu.core_type = #tpu.core_type<tc>, window_params = [{pipeline_mode = #tpu.pipeline_mode<synchronous>, transform_indices = @transform_0, window_bounds = array<i64: 1024, 32>}, {pipeline_mode = #tpu.pipeline_mode<synchronous>, transform_indices = @transform_1, window_bounds = array<i64: 1024, 1>}, {pipeline_mode = #tpu.pipeline_mode<synchronous>, transform_indices = @transform_2, window_bounds = array<i64: 1024, 128>}, {transform_indices = @transform_3, window_bounds = array<i64: 20000, 32>}, {pipeline_mode = #tpu.pipeline_mode<synchronous>, transform_indices = @transform_4, window_bounds = array<i64: 1, 1024>}]} {
    %eq3A = arith.constant 0 : i32
    %eq3A_0 = arith.cmpi eq, %arg0, %eq3A : i32
    %convert_element_type3A = arith.extui %eq3A_0 : i1 to i32
    %cond3A = arith.constant 0 : i32
    %cond3A_1 = arith.cmpi ne, %convert_element_type3A, %cond3A : i32
    scf.if %cond3A_1 {
      %get3A_619 = arith.constant 0 : index
      %get3A_620 = arith.constant 0 : index
      %get3A_621 = vector.load %arg1[%get3A_619, %get3A_620] : memref<1024x32xf32, #tpu.memory_space<vmem>>, vector<1024x32xf32>
      %mul3A_622 = arith.mulf %get3A_621, %get3A_621 : vector<1024x32xf32>
      %reduce_sum3A_623 = arith.constant dense<0.000000e+00> : vector<1024xf32>
      %reduce_sum3A_624 = vector.multi_reduction <add>, %mul3A_622, %reduce_sum3A_623 [1] : vector<1024x32xf32> to vector<1024xf32>
      %broadcast_in_dim3A_625 = vector.shape_cast %reduce_sum3A_624 : vector<1024xf32> to vector<1024x1xf32>
      %sqrt3A = math.sqrt %broadcast_in_dim3A_625 : vector<1024x1xf32>
      %max3A_626 = arith.constant 9.99999996E-13 : f32
      %max3A_627 = vector.broadcast %max3A_626 : f32 to vector<1024x1xf32>
      %max3A_628 = arith.maximumf %sqrt3A, %max3A_627 : vector<1024x1xf32>
      %div3A = arith.constant 2.885390e+01 : f32
      %div3A_629 = vector.broadcast %div3A : f32 to vector<1024x1xf32>
      %div3A_630 = arith.divf %div3A_629, %max3A_628 : vector<1024x1xf32>
      %mul3A_631 = vector.broadcast %div3A_630 : vector<1024x1xf32> to vector<1024x32xf32>
      %mul3A_632 = arith.mulf %get3A_621, %mul3A_631 : vector<1024x32xf32>
      %swap3A_633 = arith.constant 0 : index
      %swap3A_634 = arith.constant 0 : index
      %swap3A_635 = vector.load %arg6[%swap3A_633, %swap3A_634] : memref<1024x32xf32, #tpu.memory_space<vmem>>, vector<1024x32xf32>
      tpu.vector_store %arg6[%swap3A_633, %swap3A_634], %mul3A_632 {strides = array<i32>} : memref<1024x32xf32, #tpu.memory_space<vmem>>, vector<1024x32xf32>,
      %broadcast_in_dim3A_636 = arith.constant -1.000000e+30 : f32
      %broadcast_in_dim3A_637 = vector.broadcast %broadcast_in_dim3A_636 : f32 to vector<1x1024xf32>
      %swap3A_638 = arith.constant 0 : index
      %swap3A_639 = arith.constant 0 : index
      %swap3A_640 = vector.load %arg7[%swap3A_638, %swap3A_639] : memref<1x1024xf32, #tpu.memory_space<vmem>>, vector<1x1024xf32>
      tpu.vector_store %arg7[%swap3A_638, %swap3A_639], %broadcast_in_dim3A_637 {strides = array<i32>} : memref<1x1024xf32, #tpu.memory_space<vmem>>, vector<1x1024xf32>,
      %broadcast_in_dim3A_641 = arith.constant 0.000000e+00 : f32
      %broadcast_in_dim3A_642 = vector.broadcast %broadcast_in_dim3A_641 : f32 to vector<1x1024xf32>
      %swap3A_643 = arith.constant 0 : index
      %swap3A_644 = arith.constant 0 : index
      %swap3A_645 = vector.load %arg8[%swap3A_643, %swap3A_644] : memref<1x1024xf32, #tpu.memory_space<vmem>>, vector<1x1024xf32>
      tpu.vector_store %arg8[%swap3A_643, %swap3A_644], %broadcast_in_dim3A_642 {strides = array<i32>} : memref<1x1024xf32, #tpu.memory_space<vmem>>, vector<1x1024xf32>,
    } else {
    }
    %get3A = arith.constant 0 : index
    %get3A_2 = arith.constant 0 : index
    %get3A_3 = vector.load %arg6[%get3A, %get3A_2] : memref<1024x32xf32, #tpu.memory_space<vmem>>, vector<1024x32xf32>
    %get3A_4 = arith.constant 0 : index
    %get3A_5 = arith.constant 0 : index
    %get3A_6 = vector.load %arg7[%get3A_4, %get3A_5] : memref<1x1024xf32, #tpu.memory_space<vmem>>, vector<1x1024xf32>
    %get3A_7 = arith.constant 0 : index
    %get3A_8 = arith.constant 0 : index
    %get3A_9 = vector.load %arg8[%get3A_7, %get3A_8] : memref<1x1024xf32, #tpu.memory_space<vmem>>, vector<1x1024xf32>
    %get3A_10 = arith.constant 0 : index
    %get3A_11 = arith.constant 0 : index
    %get3A_12 = vector.load %arg4[%get3A_10, %get3A_11] : memref<20000x32xf32, #tpu.memory_space<vmem>>, vector<625x32xf32>
    %dot_general3A = arith.constant dense<0.000000e+00> : vector<625x1024xf32>
    %dot_general3A_13 = tpu.matmul %get3A_12, %get3A_3, %dot_general3A {dimension_numbers = #tpu.dot_dimension_numbers<[1], [1], [0], [0], [0, 0, 1, 0], [], []>, transpose_lhs_hint = false} : vector<625x32xf32>, vector<1024x32xf32>, vector<625x1024xf32> -> vector<625x1024xf32>
    %reduce_max3A = arith.constant dense<0xFF800000> : vector<1024xf32>
    %reduce_max3A_14 = vector.multi_reduction <maximumf>, %dot_general3A_13, %reduce_max3A [0] : vector<625x1024xf32> to vector<1024xf32>
    %broadcast_in_dim3A = vector.shape_cast %reduce_max3A_14 : vector<1024xf32> to vector<1x1024xf32>
    %max3A = arith.maximumf %get3A_6, %broadcast_in_dim3A : vector<1x1024xf32>
    %sub3A = arith.subf %get3A_6, %max3A : vector<1x1024xf32>
    %exp23A = math.exp2 %sub3A : vector<1x1024xf32>
    %mul3A = arith.mulf %get3A_9, %exp23A : vector<1x1024xf32>
    %sub3A_15 = vector.broadcast %max3A : vector<1x1024xf32> to vector<625x1024xf32>
    %sub3A_16 = arith.subf %dot_general3A_13, %sub3A_15 : vector<625x1024xf32>
    %exp23A_17 = math.exp2 %sub3A_16 : vector<625x1024xf32>
    %reduce_sum3A = arith.constant dense<0.000000e+00> : vector<1024xf32>
    %reduce_sum3A_18 = vector.multi_reduction <add>, %exp23A_17, %reduce_sum3A [0] : vector<625x1024xf32> to vector<1024xf32>
    %broadcast_in_dim3A_19 = vector.shape_cast %reduce_sum3A_18 : vector<1024xf32> to vector<1x1024xf32>
    %add3A = arith.addf %mul3A, %broadcast_in_dim3A_19 : vector<1x1024xf32>
    %get3A_20 = arith.constant 625 : index
    %get3A_21 = arith.constant 0 : index
    %get3A_22 = vector.load %arg4[%get3A_20, %get3A_21] : memref<20000x32xf32, #tpu.memory_space<vmem>>, vector<625x32xf32>
    %dot_general3A_23 = arith.constant dense<0.000000e+00> : vector<625x1024xf32>
    %dot_general3A_24 = tpu.matmul %get3A_22, %get3A_3, %dot_general3A_23 {dimension_numbers = #tpu.dot_dimension_numbers<[1], [1], [0], [0], [0, 0, 1, 0], [], []>, transpose_lhs_hint = false} : vector<625x32xf32>, vector<1024x32xf32>, vector<625x1024xf32> -> vector<625x1024xf32>
    %reduce_max3A_25 = arith.constant dense<0xFF800000> : vector<1024xf32>
    %reduce_max3A_26 = vector.multi_reduction <maximumf>, %dot_general3A_24, %reduce_max3A_25 [0] : vector<625x1024xf32> to vector<1024xf32>
    %broadcast_in_dim3A_27 = vector.shape_cast %reduce_max3A_26 : vector<1024xf32> to vector<1x1024xf32>
    %max3A_28 = arith.maximumf %max3A, %broadcast_in_dim3A_27 : vector<1x1024xf32>
    %sub3A_29 = arith.subf %max3A, %max3A_28 : vector<1x1024xf32>
    %exp23A_30 = math.exp2 %sub3A_29 : vector<1x1024xf32>
    %mul3A_31 = arith.mulf %add3A, %exp23A_30 : vector<1x1024xf32>
    %sub3A_32 = vector.broadcast %max3A_28 : vector<1x1024xf32> to vector<625x1024xf32>
    %sub3A_33 = arith.subf %dot_general3A_24, %sub3A_32 : vector<625x1024xf32>
    %exp23A_34 = math.exp2 %sub3A_33 : vector<625x1024xf32>
    %reduce_sum3A_35 = arith.constant dense<0.000000e+00> : vector<1024xf32>
    %reduce_sum3A_36 = vector.multi_reduction <add>, %exp23A_34, %reduce_sum3A_35 [0] : vector<625x1024xf32> to vector<1024xf32>
    %broadcast_in_dim3A_37 = vector.shape_cast %reduce_sum3A_36 : vector<1024xf32> to vector<1x1024xf32>
    %add3A_38 = arith.addf %mul3A_31, %broadcast_in_dim3A_37 : vector<1x1024xf32>
    %get3A_39 = arith.constant 1250 : index
    %get3A_40 = arith.constant 0 : index
    %get3A_41 = vector.load %arg4[%get3A_39, %get3A_40] : memref<20000x32xf32, #tpu.memory_space<vmem>>, vector<625x32xf32>
    %dot_general3A_42 = arith.constant dense<0.000000e+00> : vector<625x1024xf32>
    %dot_general3A_43 = tpu.matmul %get3A_41, %get3A_3, %dot_general3A_42 {dimension_numbers = #tpu.dot_dimension_numbers<[1], [1], [0], [0], [0, 0, 1, 0], [], []>, transpose_lhs_hint = false} : vector<625x32xf32>, vector<1024x32xf32>, vector<625x1024xf32> -> vector<625x1024xf32>
    %reduce_max3A_44 = arith.constant dense<0xFF800000> : vector<1024xf32>
    %reduce_max3A_45 = vector.multi_reduction <maximumf>, %dot_general3A_43, %reduce_max3A_44 [0] : vector<625x1024xf32> to vector<1024xf32>
    %broadcast_in_dim3A_46 = vector.shape_cast %reduce_max3A_45 : vector<1024xf32> to vector<1x1024xf32>
    %max3A_47 = arith.maximumf %max3A_28, %broadcast_in_dim3A_46 : vector<1x1024xf32>
    %sub3A_48 = arith.subf %max3A_28, %max3A_47 : vector<1x1024xf32>
    %exp23A_49 = math.exp2 %sub3A_48 : vector<1x1024xf32>
    %mul3A_50 = arith.mulf %add3A_38, %exp23A_49 : vector<1x1024xf32>
    %sub3A_51 = vector.broadcast %max3A_47 : vector<1x1024xf32> to vector<625x1024xf32>
    %sub3A_52 = arith.subf %dot_general3A_43, %sub3A_51 : vector<625x1024xf32>
    %exp23A_53 = math.exp2 %sub3A_52 : vector<625x1024xf32>
    %reduce_sum3A_54 = arith.constant dense<0.000000e+00> : vector<1024xf32>
    %reduce_sum3A_55 = vector.multi_reduction <add>, %exp23A_53, %reduce_sum3A_54 [0] : vector<625x1024xf32> to vector<1024xf32>
    %broadcast_in_dim3A_56 = vector.shape_cast %reduce_sum3A_55 : vector<1024xf32> to vector<1x1024xf32>
    %add3A_57 = arith.addf %mul3A_50, %broadcast_in_dim3A_56 : vector<1x1024xf32>
    %get3A_58 = arith.constant 1875 : index
    %get3A_59 = arith.constant 0 : index
    %get3A_60 = vector.load %arg4[%get3A_58, %get3A_59] : memref<20000x32xf32, #tpu.memory_space<vmem>>, vector<625x32xf32>
    %dot_general3A_61 = arith.constant dense<0.000000e+00> : vector<625x1024xf32>
    %dot_general3A_62 = tpu.matmul %get3A_60, %get3A_3, %dot_general3A_61 {dimension_numbers = #tpu.dot_dimension_numbers<[1], [1], [0], [0], [0, 0, 1, 0], [], []>, transpose_lhs_hint = false} : vector<625x32xf32>, vector<1024x32xf32>, vector<625x1024xf32> -> vector<625x1024xf32>
    %reduce_max3A_63 = arith.constant dense<0xFF800000> : vector<1024xf32>
    %reduce_max3A_64 = vector.multi_reduction <maximumf>, %dot_general3A_62, %reduce_max3A_63 [0] : vector<625x1024xf32> to vector<1024xf32>
    %broadcast_in_dim3A_65 = vector.shape_cast %reduce_max3A_64 : vector<1024xf32> to vector<1x1024xf32>
    %max3A_66 = arith.maximumf %max3A_47, %broadcast_in_dim3A_65 : vector<1x1024xf32>
    %sub3A_67 = arith.subf %max3A_47, %max3A_66 : vector<1x1024xf32>
    %exp23A_68 = math.exp2 %sub3A_67 : vector<1x1024xf32>
    %mul3A_69 = arith.mulf %add3A_57, %exp23A_68 : vector<1x1024xf32>
    %sub3A_70 = vector.broadcast %max3A_66 : vector<1x1024xf32> to vector<625x1024xf32>
    %sub3A_71 = arith.subf %dot_general3A_62, %sub3A_70 : vector<625x1024xf32>
    %exp23A_72 = math.exp2 %sub3A_71 : vector<625x1024xf32>
    %reduce_sum3A_73 = arith.constant dense<0.000000e+00> : vector<1024xf32>
    %reduce_sum3A_74 = vector.multi_reduction <add>, %exp23A_72, %reduce_sum3A_73 [0] : vector<625x1024xf32> to vector<1024xf32>
    %broadcast_in_dim3A_75 = vector.shape_cast %reduce_sum3A_74 : vector<1024xf32> to vector<1x1024xf32>
    %add3A_76 = arith.addf %mul3A_69, %broadcast_in_dim3A_75 : vector<1x1024xf32>
    %get3A_77 = arith.constant 2500 : index
    %get3A_78 = arith.constant 0 : index
    %get3A_79 = vector.load %arg4[%get3A_77, %get3A_78] : memref<20000x32xf32, #tpu.memory_space<vmem>>, vector<625x32xf32>
    %dot_general3A_80 = arith.constant dense<0.000000e+00> : vector<625x1024xf32>
    %dot_general3A_81 = tpu.matmul %get3A_79, %get3A_3, %dot_general3A_80 {dimension_numbers = #tpu.dot_dimension_numbers<[1], [1], [0], [0], [0, 0, 1, 0], [], []>, transpose_lhs_hint = false} : vector<625x32xf32>, vector<1024x32xf32>, vector<625x1024xf32> -> vector<625x1024xf32>
    %reduce_max3A_82 = arith.constant dense<0xFF800000> : vector<1024xf32>
    %reduce_max3A_83 = vector.multi_reduction <maximumf>, %dot_general3A_81, %reduce_max3A_82 [0] : vector<625x1024xf32> to vector<1024xf32>
    %broadcast_in_dim3A_84 = vector.shape_cast %reduce_max3A_83 : vector<1024xf32> to vector<1x1024xf32>
    %max3A_85 = arith.maximumf %max3A_66, %broadcast_in_dim3A_84 : vector<1x1024xf32>
    %sub3A_86 = arith.subf %max3A_66, %max3A_85 : vector<1x1024xf32>
    %exp23A_87 = math.exp2 %sub3A_86 : vector<1x1024xf32>
    %mul3A_88 = arith.mulf %add3A_76, %exp23A_87 : vector<1x1024xf32>
    %sub3A_89 = vector.broadcast %max3A_85 : vector<1x1024xf32> to vector<625x1024xf32>
    %sub3A_90 = arith.subf %dot_general3A_81, %sub3A_89 : vector<625x1024xf32>
    %exp23A_91 = math.exp2 %sub3A_90 : vector<625x1024xf32>
    %reduce_sum3A_92 = arith.constant dense<0.000000e+00> : vector<1024xf32>
    %reduce_sum3A_93 = vector.multi_reduction <add>, %exp23A_91, %reduce_sum3A_92 [0] : vector<625x1024xf32> to vector<1024xf32>
    %broadcast_in_dim3A_94 = vector.shape_cast %reduce_sum3A_93 : vector<1024xf32> to vector<1x1024xf32>
    %add3A_95 = arith.addf %mul3A_88, %broadcast_in_dim3A_94 : vector<1x1024xf32>
    %get3A_96 = arith.constant 3125 : index
    %get3A_97 = arith.constant 0 : index
    %get3A_98 = vector.load %arg4[%get3A_96, %get3A_97] : memref<20000x32xf32, #tpu.memory_space<vmem>>, vector<625x32xf32>
    %dot_general3A_99 = arith.constant dense<0.000000e+00> : vector<625x1024xf32>
    %dot_general3A_100 = tpu.matmul %get3A_98, %get3A_3, %dot_general3A_99 {dimension_numbers = #tpu.dot_dimension_numbers<[1], [1], [0], [0], [0, 0, 1, 0], [], []>, transpose_lhs_hint = false} : vector<625x32xf32>, vector<1024x32xf32>, vector<625x1024xf32> -> vector<625x1024xf32>
    %reduce_max3A_101 = arith.constant dense<0xFF800000> : vector<1024xf32>
    %reduce_max3A_102 = vector.multi_reduction <maximumf>, %dot_general3A_100, %reduce_max3A_101 [0] : vector<625x1024xf32> to vector<1024xf32>
    %broadcast_in_dim3A_103 = vector.shape_cast %reduce_max3A_102 : vector<1024xf32> to vector<1x1024xf32>
    %max3A_104 = arith.maximumf %max3A_85, %broadcast_in_dim3A_103 : vector<1x1024xf32>
    %sub3A_105 = arith.subf %max3A_85, %max3A_104 : vector<1x1024xf32>
    %exp23A_106 = math.exp2 %sub3A_105 : vector<1x1024xf32>
    %mul3A_107 = arith.mulf %add3A_95, %exp23A_106 : vector<1x1024xf32>
    %sub3A_108 = vector.broadcast %max3A_104 : vector<1x1024xf32> to vector<625x1024xf32>
    %sub3A_109 = arith.subf %dot_general3A_100, %sub3A_108 : vector<625x1024xf32>
    %exp23A_110 = math.exp2 %sub3A_109 : vector<625x1024xf32>
    %reduce_sum3A_111 = arith.constant dense<0.000000e+00> : vector<1024xf32>
    %reduce_sum3A_112 = vector.multi_reduction <add>, %exp23A_110, %reduce_sum3A_111 [0] : vector<625x1024xf32> to vector<1024xf32>
    %broadcast_in_dim3A_113 = vector.shape_cast %reduce_sum3A_112 : vector<1024xf32> to vector<1x1024xf32>
    %add3A_114 = arith.addf %mul3A_107, %broadcast_in_dim3A_113 : vector<1x1024xf32>
    %get3A_115 = arith.constant 3750 : index
    %get3A_116 = arith.constant 0 : index
    %get3A_117 = vector.load %arg4[%get3A_115, %get3A_116] : memref<20000x32xf32, #tpu.memory_space<vmem>>, vector<625x32xf32>
    %dot_general3A_118 = arith.constant dense<0.000000e+00> : vector<625x1024xf32>
    %dot_general3A_119 = tpu.matmul %get3A_117, %get3A_3, %dot_general3A_118 {dimension_numbers = #tpu.dot_dimension_numbers<[1], [1], [0], [0], [0, 0, 1, 0], [], []>, transpose_lhs_hint = false} : vector<625x32xf32>, vector<1024x32xf32>, vector<625x1024xf32> -> vector<625x1024xf32>
    %reduce_max3A_120 = arith.constant dense<0xFF800000> : vector<1024xf32>
    %reduce_max3A_121 = vector.multi_reduction <maximumf>, %dot_general3A_119, %reduce_max3A_120 [0] : vector<625x1024xf32> to vector<1024xf32>
    %broadcast_in_dim3A_122 = vector.shape_cast %reduce_max3A_121 : vector<1024xf32> to vector<1x1024xf32>
    %max3A_123 = arith.maximumf %max3A_104, %broadcast_in_dim3A_122 : vector<1x1024xf32>
    %sub3A_124 = arith.subf %max3A_104, %max3A_123 : vector<1x1024xf32>
    %exp23A_125 = math.exp2 %sub3A_124 : vector<1x1024xf32>
    %mul3A_126 = arith.mulf %add3A_114, %exp23A_125 : vector<1x1024xf32>
    %sub3A_127 = vector.broadcast %max3A_123 : vector<1x1024xf32> to vector<625x1024xf32>
    %sub3A_128 = arith.subf %dot_general3A_119, %sub3A_127 : vector<625x1024xf32>
    %exp23A_129 = math.exp2 %sub3A_128 : vector<625x1024xf32>
    %reduce_sum3A_130 = arith.constant dense<0.000000e+00> : vector<1024xf32>
    %reduce_sum3A_131 = vector.multi_reduction <add>, %exp23A_129, %reduce_sum3A_130 [0] : vector<625x1024xf32> to vector<1024xf32>
    %broadcast_in_dim3A_132 = vector.shape_cast %reduce_sum3A_131 : vector<1024xf32> to vector<1x1024xf32>
    %add3A_133 = arith.addf %mul3A_126, %broadcast_in_dim3A_132 : vector<1x1024xf32>
    %get3A_134 = arith.constant 4375 : index
    %get3A_135 = arith.constant 0 : index
    %get3A_136 = vector.load %arg4[%get3A_134, %get3A_135] : memref<20000x32xf32, #tpu.memory_space<vmem>>, vector<625x32xf32>
    %dot_general3A_137 = arith.constant dense<0.000000e+00> : vector<625x1024xf32>
    %dot_general3A_138 = tpu.matmul %get3A_136, %get3A_3, %dot_general3A_137 {dimension_numbers = #tpu.dot_dimension_numbers<[1], [1], [0], [0], [0, 0, 1, 0], [], []>, transpose_lhs_hint = false} : vector<625x32xf32>, vector<1024x32xf32>, vector<625x1024xf32> -> vector<625x1024xf32>
    %reduce_max3A_139 = arith.constant dense<0xFF800000> : vector<1024xf32>
    %reduce_max3A_140 = vector.multi_reduction <maximumf>, %dot_general3A_138, %reduce_max3A_139 [0] : vector<625x1024xf32> to vector<1024xf32>
    %broadcast_in_dim3A_141 = vector.shape_cast %reduce_max3A_140 : vector<1024xf32> to vector<1x1024xf32>
    %max3A_142 = arith.maximumf %max3A_123, %broadcast_in_dim3A_141 : vector<1x1024xf32>
    %sub3A_143 = arith.subf %max3A_123, %max3A_142 : vector<1x1024xf32>
    %exp23A_144 = math.exp2 %sub3A_143 : vector<1x1024xf32>
    %mul3A_145 = arith.mulf %add3A_133, %exp23A_144 : vector<1x1024xf32>
    %sub3A_146 = vector.broadcast %max3A_142 : vector<1x1024xf32> to vector<625x1024xf32>
    %sub3A_147 = arith.subf %dot_general3A_138, %sub3A_146 : vector<625x1024xf32>
    %exp23A_148 = math.exp2 %sub3A_147 : vector<625x1024xf32>
    %reduce_sum3A_149 = arith.constant dense<0.000000e+00> : vector<1024xf32>
    %reduce_sum3A_150 = vector.multi_reduction <add>, %exp23A_148, %reduce_sum3A_149 [0] : vector<625x1024xf32> to vector<1024xf32>
    %broadcast_in_dim3A_151 = vector.shape_cast %reduce_sum3A_150 : vector<1024xf32> to vector<1x1024xf32>
    %add3A_152 = arith.addf %mul3A_145, %broadcast_in_dim3A_151 : vector<1x1024xf32>
    %get3A_153 = arith.constant 5000 : index
    %get3A_154 = arith.constant 0 : index
    %get3A_155 = vector.load %arg4[%get3A_153, %get3A_154] : memref<20000x32xf32, #tpu.memory_space<vmem>>, vector<625x32xf32>
    %dot_general3A_156 = arith.constant dense<0.000000e+00> : vector<625x1024xf32>
    %dot_general3A_157 = tpu.matmul %get3A_155, %get3A_3, %dot_general3A_156 {dimension_numbers = #tpu.dot_dimension_numbers<[1], [1], [0], [0], [0, 0, 1, 0], [], []>, transpose_lhs_hint = false} : vector<625x32xf32>, vector<1024x32xf32>, vector<625x1024xf32> -> vector<625x1024xf32>
    %reduce_max3A_158 = arith.constant dense<0xFF800000> : vector<1024xf32>
    %reduce_max3A_159 = vector.multi_reduction <maximumf>, %dot_general3A_157, %reduce_max3A_158 [0] : vector<625x1024xf32> to vector<1024xf32>
    %broadcast_in_dim3A_160 = vector.shape_cast %reduce_max3A_159 : vector<1024xf32> to vector<1x1024xf32>
    %max3A_161 = arith.maximumf %max3A_142, %broadcast_in_dim3A_160 : vector<1x1024xf32>
    %sub3A_162 = arith.subf %max3A_142, %max3A_161 : vector<1x1024xf32>
    %exp23A_163 = math.exp2 %sub3A_162 : vector<1x1024xf32>
    %mul3A_164 = arith.mulf %add3A_152, %exp23A_163 : vector<1x1024xf32>
    %sub3A_165 = vector.broadcast %max3A_161 : vector<1x1024xf32> to vector<625x1024xf32>
    %sub3A_166 = arith.subf %dot_general3A_157, %sub3A_165 : vector<625x1024xf32>
    %exp23A_167 = math.exp2 %sub3A_166 : vector<625x1024xf32>
    %reduce_sum3A_168 = arith.constant dense<0.000000e+00> : vector<1024xf32>
    %reduce_sum3A_169 = vector.multi_reduction <add>, %exp23A_167, %reduce_sum3A_168 [0] : vector<625x1024xf32> to vector<1024xf32>
    %broadcast_in_dim3A_170 = vector.shape_cast %reduce_sum3A_169 : vector<1024xf32> to vector<1x1024xf32>
    %add3A_171 = arith.addf %mul3A_164, %broadcast_in_dim3A_170 : vector<1x1024xf32>
    %get3A_172 = arith.constant 5625 : index
    %get3A_173 = arith.constant 0 : index
    %get3A_174 = vector.load %arg4[%get3A_172, %get3A_173] : memref<20000x32xf32, #tpu.memory_space<vmem>>, vector<625x32xf32>
    %dot_general3A_175 = arith.constant dense<0.000000e+00> : vector<625x1024xf32>
    %dot_general3A_176 = tpu.matmul %get3A_174, %get3A_3, %dot_general3A_175 {dimension_numbers = #tpu.dot_dimension_numbers<[1], [1], [0], [0], [0, 0, 1, 0], [], []>, transpose_lhs_hint = false} : vector<625x32xf32>, vector<1024x32xf32>, vector<625x1024xf32> -> vector<625x1024xf32>
    %reduce_max3A_177 = arith.constant dense<0xFF800000> : vector<1024xf32>
    %reduce_max3A_178 = vector.multi_reduction <maximumf>, %dot_general3A_176, %reduce_max3A_177 [0] : vector<625x1024xf32> to vector<1024xf32>
    %broadcast_in_dim3A_179 = vector.shape_cast %reduce_max3A_178 : vector<1024xf32> to vector<1x1024xf32>
    %max3A_180 = arith.maximumf %max3A_161, %broadcast_in_dim3A_179 : vector<1x1024xf32>
    %sub3A_181 = arith.subf %max3A_161, %max3A_180 : vector<1x1024xf32>
    %exp23A_182 = math.exp2 %sub3A_181 : vector<1x1024xf32>
    %mul3A_183 = arith.mulf %add3A_171, %exp23A_182 : vector<1x1024xf32>
    %sub3A_184 = vector.broadcast %max3A_180 : vector<1x1024xf32> to vector<625x1024xf32>
    %sub3A_185 = arith.subf %dot_general3A_176, %sub3A_184 : vector<625x1024xf32>
    %exp23A_186 = math.exp2 %sub3A_185 : vector<625x1024xf32>
    %reduce_sum3A_187 = arith.constant dense<0.000000e+00> : vector<1024xf32>
    %reduce_sum3A_188 = vector.multi_reduction <add>, %exp23A_186, %reduce_sum3A_187 [0] : vector<625x1024xf32> to vector<1024xf32>
    %broadcast_in_dim3A_189 = vector.shape_cast %reduce_sum3A_188 : vector<1024xf32> to vector<1x1024xf32>
    %add3A_190 = arith.addf %mul3A_183, %broadcast_in_dim3A_189 : vector<1x1024xf32>
    %get3A_191 = arith.constant 6250 : index
    %get3A_192 = arith.constant 0 : index
    %get3A_193 = vector.load %arg4[%get3A_191, %get3A_192] : memref<20000x32xf32, #tpu.memory_space<vmem>>, vector<625x32xf32>
    %dot_general3A_194 = arith.constant dense<0.000000e+00> : vector<625x1024xf32>
    %dot_general3A_195 = tpu.matmul %get3A_193, %get3A_3, %dot_general3A_194 {dimension_numbers = #tpu.dot_dimension_numbers<[1], [1], [0], [0], [0, 0, 1, 0], [], []>, transpose_lhs_hint = false} : vector<625x32xf32>, vector<1024x32xf32>, vector<625x1024xf32> -> vector<625x1024xf32>
    %reduce_max3A_196 = arith.constant dense<0xFF800000> : vector<1024xf32>
    %reduce_max3A_197 = vector.multi_reduction <maximumf>, %dot_general3A_195, %reduce_max3A_196 [0] : vector<625x1024xf32> to vector<1024xf32>
    %broadcast_in_dim3A_198 = vector.shape_cast %reduce_max3A_197 : vector<1024xf32> to vector<1x1024xf32>
    %max3A_199 = arith.maximumf %max3A_180, %broadcast_in_dim3A_198 : vector<1x1024xf32>
    %sub3A_200 = arith.subf %max3A_180, %max3A_199 : vector<1x1024xf32>
    %exp23A_201 = math.exp2 %sub3A_200 : vector<1x1024xf32>
    %mul3A_202 = arith.mulf %add3A_190, %exp23A_201 : vector<1x1024xf32>
    %sub3A_203 = vector.broadcast %max3A_199 : vector<1x1024xf32> to vector<625x1024xf32>
    %sub3A_204 = arith.subf %dot_general3A_195, %sub3A_203 : vector<625x1024xf32>
    %exp23A_205 = math.exp2 %sub3A_204 : vector<625x1024xf32>
    %reduce_sum3A_206 = arith.constant dense<0.000000e+00> : vector<1024xf32>
    %reduce_sum3A_207 = vector.multi_reduction <add>, %exp23A_205, %reduce_sum3A_206 [0] : vector<625x1024xf32> to vector<1024xf32>
    %broadcast_in_dim3A_208 = vector.shape_cast %reduce_sum3A_207 : vector<1024xf32> to vector<1x1024xf32>
    %add3A_209 = arith.addf %mul3A_202, %broadcast_in_dim3A_208 : vector<1x1024xf32>
    %get3A_210 = arith.constant 6875 : index
    %get3A_211 = arith.constant 0 : index
    %get3A_212 = vector.load %arg4[%get3A_210, %get3A_211] : memref<20000x32xf32, #tpu.memory_space<vmem>>, vector<625x32xf32>
    %dot_general3A_213 = arith.constant dense<0.000000e+00> : vector<625x1024xf32>
    %dot_general3A_214 = tpu.matmul %get3A_212, %get3A_3, %dot_general3A_213 {dimension_numbers = #tpu.dot_dimension_numbers<[1], [1], [0], [0], [0, 0, 1, 0], [], []>, transpose_lhs_hint = false} : vector<625x32xf32>, vector<1024x32xf32>, vector<625x1024xf32> -> vector<625x1024xf32>
    %reduce_max3A_215 = arith.constant dense<0xFF800000> : vector<1024xf32>
    %reduce_max3A_216 = vector.multi_reduction <maximumf>, %dot_general3A_214, %reduce_max3A_215 [0] : vector<625x1024xf32> to vector<1024xf32>
    %broadcast_in_dim3A_217 = vector.shape_cast %reduce_max3A_216 : vector<1024xf32> to vector<1x1024xf32>
    %max3A_218 = arith.maximumf %max3A_199, %broadcast_in_dim3A_217 : vector<1x1024xf32>
    %sub3A_219 = arith.subf %max3A_199, %max3A_218 : vector<1x1024xf32>
    %exp23A_220 = math.exp2 %sub3A_219 : vector<1x1024xf32>
    %mul3A_221 = arith.mulf %add3A_209, %exp23A_220 : vector<1x1024xf32>
    %sub3A_222 = vector.broadcast %max3A_218 : vector<1x1024xf32> to vector<625x1024xf32>
    %sub3A_223 = arith.subf %dot_general3A_214, %sub3A_222 : vector<625x1024xf32>
    %exp23A_224 = math.exp2 %sub3A_223 : vector<625x1024xf32>
    %reduce_sum3A_225 = arith.constant dense<0.000000e+00> : vector<1024xf32>
    %reduce_sum3A_226 = vector.multi_reduction <add>, %exp23A_224, %reduce_sum3A_225 [0] : vector<625x1024xf32> to vector<1024xf32>
    %broadcast_in_dim3A_227 = vector.shape_cast %reduce_sum3A_226 : vector<1024xf32> to vector<1x1024xf32>
    %add3A_228 = arith.addf %mul3A_221, %broadcast_in_dim3A_227 : vector<1x1024xf32>
    %get3A_229 = arith.constant 7500 : index
    %get3A_230 = arith.constant 0 : index
    %get3A_231 = vector.load %arg4[%get3A_229, %get3A_230] : memref<20000x32xf32, #tpu.memory_space<vmem>>, vector<625x32xf32>
    %dot_general3A_232 = arith.constant dense<0.000000e+00> : vector<625x1024xf32>
    %dot_general3A_233 = tpu.matmul %get3A_231, %get3A_3, %dot_general3A_232 {dimension_numbers = #tpu.dot_dimension_numbers<[1], [1], [0], [0], [0, 0, 1, 0], [], []>, transpose_lhs_hint = false} : vector<625x32xf32>, vector<1024x32xf32>, vector<625x1024xf32> -> vector<625x1024xf32>
    %reduce_max3A_234 = arith.constant dense<0xFF800000> : vector<1024xf32>
    %reduce_max3A_235 = vector.multi_reduction <maximumf>, %dot_general3A_233, %reduce_max3A_234 [0] : vector<625x1024xf32> to vector<1024xf32>
    %broadcast_in_dim3A_236 = vector.shape_cast %reduce_max3A_235 : vector<1024xf32> to vector<1x1024xf32>
    %max3A_237 = arith.maximumf %max3A_218, %broadcast_in_dim3A_236 : vector<1x1024xf32>
    %sub3A_238 = arith.subf %max3A_218, %max3A_237 : vector<1x1024xf32>
    %exp23A_239 = math.exp2 %sub3A_238 : vector<1x1024xf32>
    %mul3A_240 = arith.mulf %add3A_228, %exp23A_239 : vector<1x1024xf32>
    %sub3A_241 = vector.broadcast %max3A_237 : vector<1x1024xf32> to vector<625x1024xf32>
    %sub3A_242 = arith.subf %dot_general3A_233, %sub3A_241 : vector<625x1024xf32>
    %exp23A_243 = math.exp2 %sub3A_242 : vector<625x1024xf32>
    %reduce_sum3A_244 = arith.constant dense<0.000000e+00> : vector<1024xf32>
    %reduce_sum3A_245 = vector.multi_reduction <add>, %exp23A_243, %reduce_sum3A_244 [0] : vector<625x1024xf32> to vector<1024xf32>
    %broadcast_in_dim3A_246 = vector.shape_cast %reduce_sum3A_245 : vector<1024xf32> to vector<1x1024xf32>
    %add3A_247 = arith.addf %mul3A_240, %broadcast_in_dim3A_246 : vector<1x1024xf32>
    %get3A_248 = arith.constant 8125 : index
    %get3A_249 = arith.constant 0 : index
    %get3A_250 = vector.load %arg4[%get3A_248, %get3A_249] : memref<20000x32xf32, #tpu.memory_space<vmem>>, vector<625x32xf32>
    %dot_general3A_251 = arith.constant dense<0.000000e+00> : vector<625x1024xf32>
    %dot_general3A_252 = tpu.matmul %get3A_250, %get3A_3, %dot_general3A_251 {dimension_numbers = #tpu.dot_dimension_numbers<[1], [1], [0], [0], [0, 0, 1, 0], [], []>, transpose_lhs_hint = false} : vector<625x32xf32>, vector<1024x32xf32>, vector<625x1024xf32> -> vector<625x1024xf32>
    %reduce_max3A_253 = arith.constant dense<0xFF800000> : vector<1024xf32>
    %reduce_max3A_254 = vector.multi_reduction <maximumf>, %dot_general3A_252, %reduce_max3A_253 [0] : vector<625x1024xf32> to vector<1024xf32>
    %broadcast_in_dim3A_255 = vector.shape_cast %reduce_max3A_254 : vector<1024xf32> to vector<1x1024xf32>
    %max3A_256 = arith.maximumf %max3A_237, %broadcast_in_dim3A_255 : vector<1x1024xf32>
    %sub3A_257 = arith.subf %max3A_237, %max3A_256 : vector<1x1024xf32>
    %exp23A_258 = math.exp2 %sub3A_257 : vector<1x1024xf32>
    %mul3A_259 = arith.mulf %add3A_247, %exp23A_258 : vector<1x1024xf32>
    %sub3A_260 = vector.broadcast %max3A_256 : vector<1x1024xf32> to vector<625x1024xf32>
    %sub3A_261 = arith.subf %dot_general3A_252, %sub3A_260 : vector<625x1024xf32>
    %exp23A_262 = math.exp2 %sub3A_261 : vector<625x1024xf32>
    %reduce_sum3A_263 = arith.constant dense<0.000000e+00> : vector<1024xf32>
    %reduce_sum3A_264 = vector.multi_reduction <add>, %exp23A_262, %reduce_sum3A_263 [0] : vector<625x1024xf32> to vector<1024xf32>
    %broadcast_in_dim3A_265 = vector.shape_cast %reduce_sum3A_264 : vector<1024xf32> to vector<1x1024xf32>
    %add3A_266 = arith.addf %mul3A_259, %broadcast_in_dim3A_265 : vector<1x1024xf32>
    %get3A_267 = arith.constant 8750 : index
    %get3A_268 = arith.constant 0 : index
    %get3A_269 = vector.load %arg4[%get3A_267, %get3A_268] : memref<20000x32xf32, #tpu.memory_space<vmem>>, vector<625x32xf32>
    %dot_general3A_270 = arith.constant dense<0.000000e+00> : vector<625x1024xf32>
    %dot_general3A_271 = tpu.matmul %get3A_269, %get3A_3, %dot_general3A_270 {dimension_numbers = #tpu.dot_dimension_numbers<[1], [1], [0], [0], [0, 0, 1, 0], [], []>, transpose_lhs_hint = false} : vector<625x32xf32>, vector<1024x32xf32>, vector<625x1024xf32> -> vector<625x1024xf32>
    %reduce_max3A_272 = arith.constant dense<0xFF800000> : vector<1024xf32>
    %reduce_max3A_273 = vector.multi_reduction <maximumf>, %dot_general3A_271, %reduce_max3A_272 [0] : vector<625x1024xf32> to vector<1024xf32>
    %broadcast_in_dim3A_274 = vector.shape_cast %reduce_max3A_273 : vector<1024xf32> to vector<1x1024xf32>
    %max3A_275 = arith.maximumf %max3A_256, %broadcast_in_dim3A_274 : vector<1x1024xf32>
    %sub3A_276 = arith.subf %max3A_256, %max3A_275 : vector<1x1024xf32>
    %exp23A_277 = math.exp2 %sub3A_276 : vector<1x1024xf32>
    %mul3A_278 = arith.mulf %add3A_266, %exp23A_277 : vector<1x1024xf32>
    %sub3A_279 = vector.broadcast %max3A_275 : vector<1x1024xf32> to vector<625x1024xf32>
    %sub3A_280 = arith.subf %dot_general3A_271, %sub3A_279 : vector<625x1024xf32>
    %exp23A_281 = math.exp2 %sub3A_280 : vector<625x1024xf32>
    %reduce_sum3A_282 = arith.constant dense<0.000000e+00> : vector<1024xf32>
    %reduce_sum3A_283 = vector.multi_reduction <add>, %exp23A_281, %reduce_sum3A_282 [0] : vector<625x1024xf32> to vector<1024xf32>
    %broadcast_in_dim3A_284 = vector.shape_cast %reduce_sum3A_283 : vector<1024xf32> to vector<1x1024xf32>
    %add3A_285 = arith.addf %mul3A_278, %broadcast_in_dim3A_284 : vector<1x1024xf32>
    %get3A_286 = arith.constant 9375 : index
    %get3A_287 = arith.constant 0 : index
    %get3A_288 = vector.load %arg4[%get3A_286, %get3A_287] : memref<20000x32xf32, #tpu.memory_space<vmem>>, vector<625x32xf32>
    %dot_general3A_289 = arith.constant dense<0.000000e+00> : vector<625x1024xf32>
    %dot_general3A_290 = tpu.matmul %get3A_288, %get3A_3, %dot_general3A_289 {dimension_numbers = #tpu.dot_dimension_numbers<[1], [1], [0], [0], [0, 0, 1, 0], [], []>, transpose_lhs_hint = false} : vector<625x32xf32>, vector<1024x32xf32>, vector<625x1024xf32> -> vector<625x1024xf32>
    %reduce_max3A_291 = arith.constant dense<0xFF800000> : vector<1024xf32>
    %reduce_max3A_292 = vector.multi_reduction <maximumf>, %dot_general3A_290, %reduce_max3A_291 [0] : vector<625x1024xf32> to vector<1024xf32>
    %broadcast_in_dim3A_293 = vector.shape_cast %reduce_max3A_292 : vector<1024xf32> to vector<1x1024xf32>
    %max3A_294 = arith.maximumf %max3A_275, %broadcast_in_dim3A_293 : vector<1x1024xf32>
    %sub3A_295 = arith.subf %max3A_275, %max3A_294 : vector<1x1024xf32>
    %exp23A_296 = math.exp2 %sub3A_295 : vector<1x1024xf32>
    %mul3A_297 = arith.mulf %add3A_285, %exp23A_296 : vector<1x1024xf32>
    %sub3A_298 = vector.broadcast %max3A_294 : vector<1x1024xf32> to vector<625x1024xf32>
    %sub3A_299 = arith.subf %dot_general3A_290, %sub3A_298 : vector<625x1024xf32>
    %exp23A_300 = math.exp2 %sub3A_299 : vector<625x1024xf32>
    %reduce_sum3A_301 = arith.constant dense<0.000000e+00> : vector<1024xf32>
    %reduce_sum3A_302 = vector.multi_reduction <add>, %exp23A_300, %reduce_sum3A_301 [0] : vector<625x1024xf32> to vector<1024xf32>
    %broadcast_in_dim3A_303 = vector.shape_cast %reduce_sum3A_302 : vector<1024xf32> to vector<1x1024xf32>
    %add3A_304 = arith.addf %mul3A_297, %broadcast_in_dim3A_303 : vector<1x1024xf32>
    %get3A_305 = arith.constant 10000 : index
    %get3A_306 = arith.constant 0 : index
    %get3A_307 = vector.load %arg4[%get3A_305, %get3A_306] : memref<20000x32xf32, #tpu.memory_space<vmem>>, vector<625x32xf32>
    %dot_general3A_308 = arith.constant dense<0.000000e+00> : vector<625x1024xf32>
    %dot_general3A_309 = tpu.matmul %get3A_307, %get3A_3, %dot_general3A_308 {dimension_numbers = #tpu.dot_dimension_numbers<[1], [1], [0], [0], [0, 0, 1, 0], [], []>, transpose_lhs_hint = false} : vector<625x32xf32>, vector<1024x32xf32>, vector<625x1024xf32> -> vector<625x1024xf32>
    %reduce_max3A_310 = arith.constant dense<0xFF800000> : vector<1024xf32>
    %reduce_max3A_311 = vector.multi_reduction <maximumf>, %dot_general3A_309, %reduce_max3A_310 [0] : vector<625x1024xf32> to vector<1024xf32>
    %broadcast_in_dim3A_312 = vector.shape_cast %reduce_max3A_311 : vector<1024xf32> to vector<1x1024xf32>
    %max3A_313 = arith.maximumf %max3A_294, %broadcast_in_dim3A_312 : vector<1x1024xf32>
    %sub3A_314 = arith.subf %max3A_294, %max3A_313 : vector<1x1024xf32>
    %exp23A_315 = math.exp2 %sub3A_314 : vector<1x1024xf32>
    %mul3A_316 = arith.mulf %add3A_304, %exp23A_315 : vector<1x1024xf32>
    %sub3A_317 = vector.broadcast %max3A_313 : vector<1x1024xf32> to vector<625x1024xf32>
    %sub3A_318 = arith.subf %dot_general3A_309, %sub3A_317 : vector<625x1024xf32>
    %exp23A_319 = math.exp2 %sub3A_318 : vector<625x1024xf32>
    %reduce_sum3A_320 = arith.constant dense<0.000000e+00> : vector<1024xf32>
    %reduce_sum3A_321 = vector.multi_reduction <add>, %exp23A_319, %reduce_sum3A_320 [0] : vector<625x1024xf32> to vector<1024xf32>
    %broadcast_in_dim3A_322 = vector.shape_cast %reduce_sum3A_321 : vector<1024xf32> to vector<1x1024xf32>
    %add3A_323 = arith.addf %mul3A_316, %broadcast_in_dim3A_322 : vector<1x1024xf32>
    %get3A_324 = arith.constant 10625 : index
    %get3A_325 = arith.constant 0 : index
    %get3A_326 = vector.load %arg4[%get3A_324, %get3A_325] : memref<20000x32xf32, #tpu.memory_space<vmem>>, vector<625x32xf32>
    %dot_general3A_327 = arith.constant dense<0.000000e+00> : vector<625x1024xf32>
    %dot_general3A_328 = tpu.matmul %get3A_326, %get3A_3, %dot_general3A_327 {dimension_numbers = #tpu.dot_dimension_numbers<[1], [1], [0], [0], [0, 0, 1, 0], [], []>, transpose_lhs_hint = false} : vector<625x32xf32>, vector<1024x32xf32>, vector<625x1024xf32> -> vector<625x1024xf32>
    %reduce_max3A_329 = arith.constant dense<0xFF800000> : vector<1024xf32>
    %reduce_max3A_330 = vector.multi_reduction <maximumf>, %dot_general3A_328, %reduce_max3A_329 [0] : vector<625x1024xf32> to vector<1024xf32>
    %broadcast_in_dim3A_331 = vector.shape_cast %reduce_max3A_330 : vector<1024xf32> to vector<1x1024xf32>
    %max3A_332 = arith.maximumf %max3A_313, %broadcast_in_dim3A_331 : vector<1x1024xf32>
    %sub3A_333 = arith.subf %max3A_313, %max3A_332 : vector<1x1024xf32>
    %exp23A_334 = math.exp2 %sub3A_333 : vector<1x1024xf32>
    %mul3A_335 = arith.mulf %add3A_323, %exp23A_334 : vector<1x1024xf32>
    %sub3A_336 = vector.broadcast %max3A_332 : vector<1x1024xf32> to vector<625x1024xf32>
    %sub3A_337 = arith.subf %dot_general3A_328, %sub3A_336 : vector<625x1024xf32>
    %exp23A_338 = math.exp2 %sub3A_337 : vector<625x1024xf32>
    %reduce_sum3A_339 = arith.constant dense<0.000000e+00> : vector<1024xf32>
    %reduce_sum3A_340 = vector.multi_reduction <add>, %exp23A_338, %reduce_sum3A_339 [0] : vector<625x1024xf32> to vector<1024xf32>
    %broadcast_in_dim3A_341 = vector.shape_cast %reduce_sum3A_340 : vector<1024xf32> to vector<1x1024xf32>
    %add3A_342 = arith.addf %mul3A_335, %broadcast_in_dim3A_341 : vector<1x1024xf32>
    %get3A_343 = arith.constant 11250 : index
    %get3A_344 = arith.constant 0 : index
    %get3A_345 = vector.load %arg4[%get3A_343, %get3A_344] : memref<20000x32xf32, #tpu.memory_space<vmem>>, vector<625x32xf32>
    %dot_general3A_346 = arith.constant dense<0.000000e+00> : vector<625x1024xf32>
    %dot_general3A_347 = tpu.matmul %get3A_345, %get3A_3, %dot_general3A_346 {dimension_numbers = #tpu.dot_dimension_numbers<[1], [1], [0], [0], [0, 0, 1, 0], [], []>, transpose_lhs_hint = false} : vector<625x32xf32>, vector<1024x32xf32>, vector<625x1024xf32> -> vector<625x1024xf32>
    %reduce_max3A_348 = arith.constant dense<0xFF800000> : vector<1024xf32>
    %reduce_max3A_349 = vector.multi_reduction <maximumf>, %dot_general3A_347, %reduce_max3A_348 [0] : vector<625x1024xf32> to vector<1024xf32>
    %broadcast_in_dim3A_350 = vector.shape_cast %reduce_max3A_349 : vector<1024xf32> to vector<1x1024xf32>
    %max3A_351 = arith.maximumf %max3A_332, %broadcast_in_dim3A_350 : vector<1x1024xf32>
    %sub3A_352 = arith.subf %max3A_332, %max3A_351 : vector<1x1024xf32>
    %exp23A_353 = math.exp2 %sub3A_352 : vector<1x1024xf32>
    %mul3A_354 = arith.mulf %add3A_342, %exp23A_353 : vector<1x1024xf32>
    %sub3A_355 = vector.broadcast %max3A_351 : vector<1x1024xf32> to vector<625x1024xf32>
    %sub3A_356 = arith.subf %dot_general3A_347, %sub3A_355 : vector<625x1024xf32>
    %exp23A_357 = math.exp2 %sub3A_356 : vector<625x1024xf32>
    %reduce_sum3A_358 = arith.constant dense<0.000000e+00> : vector<1024xf32>
    %reduce_sum3A_359 = vector.multi_reduction <add>, %exp23A_357, %reduce_sum3A_358 [0] : vector<625x1024xf32> to vector<1024xf32>
    %broadcast_in_dim3A_360 = vector.shape_cast %reduce_sum3A_359 : vector<1024xf32> to vector<1x1024xf32>
    %add3A_361 = arith.addf %mul3A_354, %broadcast_in_dim3A_360 : vector<1x1024xf32>
    %get3A_362 = arith.constant 11875 : index
    %get3A_363 = arith.constant 0 : index
    %get3A_364 = vector.load %arg4[%get3A_362, %get3A_363] : memref<20000x32xf32, #tpu.memory_space<vmem>>, vector<625x32xf32>
    %dot_general3A_365 = arith.constant dense<0.000000e+00> : vector<625x1024xf32>
    %dot_general3A_366 = tpu.matmul %get3A_364, %get3A_3, %dot_general3A_365 {dimension_numbers = #tpu.dot_dimension_numbers<[1], [1], [0], [0], [0, 0, 1, 0], [], []>, transpose_lhs_hint = false} : vector<625x32xf32>, vector<1024x32xf32>, vector<625x1024xf32> -> vector<625x1024xf32>
    %reduce_max3A_367 = arith.constant dense<0xFF800000> : vector<1024xf32>
    %reduce_max3A_368 = vector.multi_reduction <maximumf>, %dot_general3A_366, %reduce_max3A_367 [0] : vector<625x1024xf32> to vector<1024xf32>
    %broadcast_in_dim3A_369 = vector.shape_cast %reduce_max3A_368 : vector<1024xf32> to vector<1x1024xf32>
    %max3A_370 = arith.maximumf %max3A_351, %broadcast_in_dim3A_369 : vector<1x1024xf32>
    %sub3A_371 = arith.subf %max3A_351, %max3A_370 : vector<1x1024xf32>
    %exp23A_372 = math.exp2 %sub3A_371 : vector<1x1024xf32>
    %mul3A_373 = arith.mulf %add3A_361, %exp23A_372 : vector<1x1024xf32>
    %sub3A_374 = vector.broadcast %max3A_370 : vector<1x1024xf32> to vector<625x1024xf32>
    %sub3A_375 = arith.subf %dot_general3A_366, %sub3A_374 : vector<625x1024xf32>
    %exp23A_376 = math.exp2 %sub3A_375 : vector<625x1024xf32>
    %reduce_sum3A_377 = arith.constant dense<0.000000e+00> : vector<1024xf32>
    %reduce_sum3A_378 = vector.multi_reduction <add>, %exp23A_376, %reduce_sum3A_377 [0] : vector<625x1024xf32> to vector<1024xf32>
    %broadcast_in_dim3A_379 = vector.shape_cast %reduce_sum3A_378 : vector<1024xf32> to vector<1x1024xf32>
    %add3A_380 = arith.addf %mul3A_373, %broadcast_in_dim3A_379 : vector<1x1024xf32>
    %get3A_381 = arith.constant 12500 : index
    %get3A_382 = arith.constant 0 : index
    %get3A_383 = vector.load %arg4[%get3A_381, %get3A_382] : memref<20000x32xf32, #tpu.memory_space<vmem>>, vector<625x32xf32>
    %dot_general3A_384 = arith.constant dense<0.000000e+00> : vector<625x1024xf32>
    %dot_general3A_385 = tpu.matmul %get3A_383, %get3A_3, %dot_general3A_384 {dimension_numbers = #tpu.dot_dimension_numbers<[1], [1], [0], [0], [0, 0, 1, 0], [], []>, transpose_lhs_hint = false} : vector<625x32xf32>, vector<1024x32xf32>, vector<625x1024xf32> -> vector<625x1024xf32>
    %reduce_max3A_386 = arith.constant dense<0xFF800000> : vector<1024xf32>
    %reduce_max3A_387 = vector.multi_reduction <maximumf>, %dot_general3A_385, %reduce_max3A_386 [0] : vector<625x1024xf32> to vector<1024xf32>
    %broadcast_in_dim3A_388 = vector.shape_cast %reduce_max3A_387 : vector<1024xf32> to vector<1x1024xf32>
    %max3A_389 = arith.maximumf %max3A_370, %broadcast_in_dim3A_388 : vector<1x1024xf32>
    %sub3A_390 = arith.subf %max3A_370, %max3A_389 : vector<1x1024xf32>
    %exp23A_391 = math.exp2 %sub3A_390 : vector<1x1024xf32>
    %mul3A_392 = arith.mulf %add3A_380, %exp23A_391 : vector<1x1024xf32>
    %sub3A_393 = vector.broadcast %max3A_389 : vector<1x1024xf32> to vector<625x1024xf32>
    %sub3A_394 = arith.subf %dot_general3A_385, %sub3A_393 : vector<625x1024xf32>
    %exp23A_395 = math.exp2 %sub3A_394 : vector<625x1024xf32>
    %reduce_sum3A_396 = arith.constant dense<0.000000e+00> : vector<1024xf32>
    %reduce_sum3A_397 = vector.multi_reduction <add>, %exp23A_395, %reduce_sum3A_396 [0] : vector<625x1024xf32> to vector<1024xf32>
    %broadcast_in_dim3A_398 = vector.shape_cast %reduce_sum3A_397 : vector<1024xf32> to vector<1x1024xf32>
    %add3A_399 = arith.addf %mul3A_392, %broadcast_in_dim3A_398 : vector<1x1024xf32>
    %get3A_400 = arith.constant 13125 : index
    %get3A_401 = arith.constant 0 : index
    %get3A_402 = vector.load %arg4[%get3A_400, %get3A_401] : memref<20000x32xf32, #tpu.memory_space<vmem>>, vector<625x32xf32>
    %dot_general3A_403 = arith.constant dense<0.000000e+00> : vector<625x1024xf32>
    %dot_general3A_404 = tpu.matmul %get3A_402, %get3A_3, %dot_general3A_403 {dimension_numbers = #tpu.dot_dimension_numbers<[1], [1], [0], [0], [0, 0, 1, 0], [], []>, transpose_lhs_hint = false} : vector<625x32xf32>, vector<1024x32xf32>, vector<625x1024xf32> -> vector<625x1024xf32>
    %reduce_max3A_405 = arith.constant dense<0xFF800000> : vector<1024xf32>
    %reduce_max3A_406 = vector.multi_reduction <maximumf>, %dot_general3A_404, %reduce_max3A_405 [0] : vector<625x1024xf32> to vector<1024xf32>
    %broadcast_in_dim3A_407 = vector.shape_cast %reduce_max3A_406 : vector<1024xf32> to vector<1x1024xf32>
    %max3A_408 = arith.maximumf %max3A_389, %broadcast_in_dim3A_407 : vector<1x1024xf32>
    %sub3A_409 = arith.subf %max3A_389, %max3A_408 : vector<1x1024xf32>
    %exp23A_410 = math.exp2 %sub3A_409 : vector<1x1024xf32>
    %mul3A_411 = arith.mulf %add3A_399, %exp23A_410 : vector<1x1024xf32>
    %sub3A_412 = vector.broadcast %max3A_408 : vector<1x1024xf32> to vector<625x1024xf32>
    %sub3A_413 = arith.subf %dot_general3A_404, %sub3A_412 : vector<625x1024xf32>
    %exp23A_414 = math.exp2 %sub3A_413 : vector<625x1024xf32>
    %reduce_sum3A_415 = arith.constant dense<0.000000e+00> : vector<1024xf32>
    %reduce_sum3A_416 = vector.multi_reduction <add>, %exp23A_414, %reduce_sum3A_415 [0] : vector<625x1024xf32> to vector<1024xf32>
    %broadcast_in_dim3A_417 = vector.shape_cast %reduce_sum3A_416 : vector<1024xf32> to vector<1x1024xf32>
    %add3A_418 = arith.addf %mul3A_411, %broadcast_in_dim3A_417 : vector<1x1024xf32>
    %get3A_419 = arith.constant 13750 : index
    %get3A_420 = arith.constant 0 : index
    %get3A_421 = vector.load %arg4[%get3A_419, %get3A_420] : memref<20000x32xf32, #tpu.memory_space<vmem>>, vector<625x32xf32>
    %dot_general3A_422 = arith.constant dense<0.000000e+00> : vector<625x1024xf32>
    %dot_general3A_423 = tpu.matmul %get3A_421, %get3A_3, %dot_general3A_422 {dimension_numbers = #tpu.dot_dimension_numbers<[1], [1], [0], [0], [0, 0, 1, 0], [], []>, transpose_lhs_hint = false} : vector<625x32xf32>, vector<1024x32xf32>, vector<625x1024xf32> -> vector<625x1024xf32>
    %reduce_max3A_424 = arith.constant dense<0xFF800000> : vector<1024xf32>
    %reduce_max3A_425 = vector.multi_reduction <maximumf>, %dot_general3A_423, %reduce_max3A_424 [0] : vector<625x1024xf32> to vector<1024xf32>
    %broadcast_in_dim3A_426 = vector.shape_cast %reduce_max3A_425 : vector<1024xf32> to vector<1x1024xf32>
    %max3A_427 = arith.maximumf %max3A_408, %broadcast_in_dim3A_426 : vector<1x1024xf32>
    %sub3A_428 = arith.subf %max3A_408, %max3A_427 : vector<1x1024xf32>
    %exp23A_429 = math.exp2 %sub3A_428 : vector<1x1024xf32>
    %mul3A_430 = arith.mulf %add3A_418, %exp23A_429 : vector<1x1024xf32>
    %sub3A_431 = vector.broadcast %max3A_427 : vector<1x1024xf32> to vector<625x1024xf32>
    %sub3A_432 = arith.subf %dot_general3A_423, %sub3A_431 : vector<625x1024xf32>
    %exp23A_433 = math.exp2 %sub3A_432 : vector<625x1024xf32>
    %reduce_sum3A_434 = arith.constant dense<0.000000e+00> : vector<1024xf32>
    %reduce_sum3A_435 = vector.multi_reduction <add>, %exp23A_433, %reduce_sum3A_434 [0] : vector<625x1024xf32> to vector<1024xf32>
    %broadcast_in_dim3A_436 = vector.shape_cast %reduce_sum3A_435 : vector<1024xf32> to vector<1x1024xf32>
    %add3A_437 = arith.addf %mul3A_430, %broadcast_in_dim3A_436 : vector<1x1024xf32>
    %get3A_438 = arith.constant 14375 : index
    %get3A_439 = arith.constant 0 : index
    %get3A_440 = vector.load %arg4[%get3A_438, %get3A_439] : memref<20000x32xf32, #tpu.memory_space<vmem>>, vector<625x32xf32>
    %dot_general3A_441 = arith.constant dense<0.000000e+00> : vector<625x1024xf32>
    %dot_general3A_442 = tpu.matmul %get3A_440, %get3A_3, %dot_general3A_441 {dimension_numbers = #tpu.dot_dimension_numbers<[1], [1], [0], [0], [0, 0, 1, 0], [], []>, transpose_lhs_hint = false} : vector<625x32xf32>, vector<1024x32xf32>, vector<625x1024xf32> -> vector<625x1024xf32>
    %reduce_max3A_443 = arith.constant dense<0xFF800000> : vector<1024xf32>
    %reduce_max3A_444 = vector.multi_reduction <maximumf>, %dot_general3A_442, %reduce_max3A_443 [0] : vector<625x1024xf32> to vector<1024xf32>
    %broadcast_in_dim3A_445 = vector.shape_cast %reduce_max3A_444 : vector<1024xf32> to vector<1x1024xf32>
    %max3A_446 = arith.maximumf %max3A_427, %broadcast_in_dim3A_445 : vector<1x1024xf32>
    %sub3A_447 = arith.subf %max3A_427, %max3A_446 : vector<1x1024xf32>
    %exp23A_448 = math.exp2 %sub3A_447 : vector<1x1024xf32>
    %mul3A_449 = arith.mulf %add3A_437, %exp23A_448 : vector<1x1024xf32>
    %sub3A_450 = vector.broadcast %max3A_446 : vector<1x1024xf32> to vector<625x1024xf32>
    %sub3A_451 = arith.subf %dot_general3A_442, %sub3A_450 : vector<625x1024xf32>
    %exp23A_452 = math.exp2 %sub3A_451 : vector<625x1024xf32>
    %reduce_sum3A_453 = arith.constant dense<0.000000e+00> : vector<1024xf32>
    %reduce_sum3A_454 = vector.multi_reduction <add>, %exp23A_452, %reduce_sum3A_453 [0] : vector<625x1024xf32> to vector<1024xf32>
    %broadcast_in_dim3A_455 = vector.shape_cast %reduce_sum3A_454 : vector<1024xf32> to vector<1x1024xf32>
    %add3A_456 = arith.addf %mul3A_449, %broadcast_in_dim3A_455 : vector<1x1024xf32>
    %get3A_457 = arith.constant 15000 : index
    %get3A_458 = arith.constant 0 : index
    %get3A_459 = vector.load %arg4[%get3A_457, %get3A_458] : memref<20000x32xf32, #tpu.memory_space<vmem>>, vector<625x32xf32>
    %dot_general3A_460 = arith.constant dense<0.000000e+00> : vector<625x1024xf32>
    %dot_general3A_461 = tpu.matmul %get3A_459, %get3A_3, %dot_general3A_460 {dimension_numbers = #tpu.dot_dimension_numbers<[1], [1], [0], [0], [0, 0, 1, 0], [], []>, transpose_lhs_hint = false} : vector<625x32xf32>, vector<1024x32xf32>, vector<625x1024xf32> -> vector<625x1024xf32>
    %reduce_max3A_462 = arith.constant dense<0xFF800000> : vector<1024xf32>
    %reduce_max3A_463 = vector.multi_reduction <maximumf>, %dot_general3A_461, %reduce_max3A_462 [0] : vector<625x1024xf32> to vector<1024xf32>
    %broadcast_in_dim3A_464 = vector.shape_cast %reduce_max3A_463 : vector<1024xf32> to vector<1x1024xf32>
    %max3A_465 = arith.maximumf %max3A_446, %broadcast_in_dim3A_464 : vector<1x1024xf32>
    %sub3A_466 = arith.subf %max3A_446, %max3A_465 : vector<1x1024xf32>
    %exp23A_467 = math.exp2 %sub3A_466 : vector<1x1024xf32>
    %mul3A_468 = arith.mulf %add3A_456, %exp23A_467 : vector<1x1024xf32>
    %sub3A_469 = vector.broadcast %max3A_465 : vector<1x1024xf32> to vector<625x1024xf32>
    %sub3A_470 = arith.subf %dot_general3A_461, %sub3A_469 : vector<625x1024xf32>
    %exp23A_471 = math.exp2 %sub3A_470 : vector<625x1024xf32>
    %reduce_sum3A_472 = arith.constant dense<0.000000e+00> : vector<1024xf32>
    %reduce_sum3A_473 = vector.multi_reduction <add>, %exp23A_471, %reduce_sum3A_472 [0] : vector<625x1024xf32> to vector<1024xf32>
    %broadcast_in_dim3A_474 = vector.shape_cast %reduce_sum3A_473 : vector<1024xf32> to vector<1x1024xf32>
    %add3A_475 = arith.addf %mul3A_468, %broadcast_in_dim3A_474 : vector<1x1024xf32>
    %get3A_476 = arith.constant 15625 : index
    %get3A_477 = arith.constant 0 : index
    %get3A_478 = vector.load %arg4[%get3A_476, %get3A_477] : memref<20000x32xf32, #tpu.memory_space<vmem>>, vector<625x32xf32>
    %dot_general3A_479 = arith.constant dense<0.000000e+00> : vector<625x1024xf32>
    %dot_general3A_480 = tpu.matmul %get3A_478, %get3A_3, %dot_general3A_479 {dimension_numbers = #tpu.dot_dimension_numbers<[1], [1], [0], [0], [0, 0, 1, 0], [], []>, transpose_lhs_hint = false} : vector<625x32xf32>, vector<1024x32xf32>, vector<625x1024xf32> -> vector<625x1024xf32>
    %reduce_max3A_481 = arith.constant dense<0xFF800000> : vector<1024xf32>
    %reduce_max3A_482 = vector.multi_reduction <maximumf>, %dot_general3A_480, %reduce_max3A_481 [0] : vector<625x1024xf32> to vector<1024xf32>
    %broadcast_in_dim3A_483 = vector.shape_cast %reduce_max3A_482 : vector<1024xf32> to vector<1x1024xf32>
    %max3A_484 = arith.maximumf %max3A_465, %broadcast_in_dim3A_483 : vector<1x1024xf32>
    %sub3A_485 = arith.subf %max3A_465, %max3A_484 : vector<1x1024xf32>
    %exp23A_486 = math.exp2 %sub3A_485 : vector<1x1024xf32>
    %mul3A_487 = arith.mulf %add3A_475, %exp23A_486 : vector<1x1024xf32>
    %sub3A_488 = vector.broadcast %max3A_484 : vector<1x1024xf32> to vector<625x1024xf32>
    %sub3A_489 = arith.subf %dot_general3A_480, %sub3A_488 : vector<625x1024xf32>
    %exp23A_490 = math.exp2 %sub3A_489 : vector<625x1024xf32>
    %reduce_sum3A_491 = arith.constant dense<0.000000e+00> : vector<1024xf32>
    %reduce_sum3A_492 = vector.multi_reduction <add>, %exp23A_490, %reduce_sum3A_491 [0] : vector<625x1024xf32> to vector<1024xf32>
    %broadcast_in_dim3A_493 = vector.shape_cast %reduce_sum3A_492 : vector<1024xf32> to vector<1x1024xf32>
    %add3A_494 = arith.addf %mul3A_487, %broadcast_in_dim3A_493 : vector<1x1024xf32>
    %get3A_495 = arith.constant 16250 : index
    %get3A_496 = arith.constant 0 : index
    %get3A_497 = vector.load %arg4[%get3A_495, %get3A_496] : memref<20000x32xf32, #tpu.memory_space<vmem>>, vector<625x32xf32>
    %dot_general3A_498 = arith.constant dense<0.000000e+00> : vector<625x1024xf32>
    %dot_general3A_499 = tpu.matmul %get3A_497, %get3A_3, %dot_general3A_498 {dimension_numbers = #tpu.dot_dimension_numbers<[1], [1], [0], [0], [0, 0, 1, 0], [], []>, transpose_lhs_hint = false} : vector<625x32xf32>, vector<1024x32xf32>, vector<625x1024xf32> -> vector<625x1024xf32>
    %reduce_max3A_500 = arith.constant dense<0xFF800000> : vector<1024xf32>
    %reduce_max3A_501 = vector.multi_reduction <maximumf>, %dot_general3A_499, %reduce_max3A_500 [0] : vector<625x1024xf32> to vector<1024xf32>
    %broadcast_in_dim3A_502 = vector.shape_cast %reduce_max3A_501 : vector<1024xf32> to vector<1x1024xf32>
    %max3A_503 = arith.maximumf %max3A_484, %broadcast_in_dim3A_502 : vector<1x1024xf32>
    %sub3A_504 = arith.subf %max3A_484, %max3A_503 : vector<1x1024xf32>
    %exp23A_505 = math.exp2 %sub3A_504 : vector<1x1024xf32>
    %mul3A_506 = arith.mulf %add3A_494, %exp23A_505 : vector<1x1024xf32>
    %sub3A_507 = vector.broadcast %max3A_503 : vector<1x1024xf32> to vector<625x1024xf32>
    %sub3A_508 = arith.subf %dot_general3A_499, %sub3A_507 : vector<625x1024xf32>
    %exp23A_509 = math.exp2 %sub3A_508 : vector<625x1024xf32>
    %reduce_sum3A_510 = arith.constant dense<0.000000e+00> : vector<1024xf32>
    %reduce_sum3A_511 = vector.multi_reduction <add>, %exp23A_509, %reduce_sum3A_510 [0] : vector<625x1024xf32> to vector<1024xf32>
    %broadcast_in_dim3A_512 = vector.shape_cast %reduce_sum3A_511 : vector<1024xf32> to vector<1x1024xf32>
    %add3A_513 = arith.addf %mul3A_506, %broadcast_in_dim3A_512 : vector<1x1024xf32>
    %get3A_514 = arith.constant 16875 : index
    %get3A_515 = arith.constant 0 : index
    %get3A_516 = vector.load %arg4[%get3A_514, %get3A_515] : memref<20000x32xf32, #tpu.memory_space<vmem>>, vector<625x32xf32>
    %dot_general3A_517 = arith.constant dense<0.000000e+00> : vector<625x1024xf32>
    %dot_general3A_518 = tpu.matmul %get3A_516, %get3A_3, %dot_general3A_517 {dimension_numbers = #tpu.dot_dimension_numbers<[1], [1], [0], [0], [0, 0, 1, 0], [], []>, transpose_lhs_hint = false} : vector<625x32xf32>, vector<1024x32xf32>, vector<625x1024xf32> -> vector<625x1024xf32>
    %reduce_max3A_519 = arith.constant dense<0xFF800000> : vector<1024xf32>
    %reduce_max3A_520 = vector.multi_reduction <maximumf>, %dot_general3A_518, %reduce_max3A_519 [0] : vector<625x1024xf32> to vector<1024xf32>
    %broadcast_in_dim3A_521 = vector.shape_cast %reduce_max3A_520 : vector<1024xf32> to vector<1x1024xf32>
    %max3A_522 = arith.maximumf %max3A_503, %broadcast_in_dim3A_521 : vector<1x1024xf32>
    %sub3A_523 = arith.subf %max3A_503, %max3A_522 : vector<1x1024xf32>
    %exp23A_524 = math.exp2 %sub3A_523 : vector<1x1024xf32>
    %mul3A_525 = arith.mulf %add3A_513, %exp23A_524 : vector<1x1024xf32>
    %sub3A_526 = vector.broadcast %max3A_522 : vector<1x1024xf32> to vector<625x1024xf32>
    %sub3A_527 = arith.subf %dot_general3A_518, %sub3A_526 : vector<625x1024xf32>
    %exp23A_528 = math.exp2 %sub3A_527 : vector<625x1024xf32>
    %reduce_sum3A_529 = arith.constant dense<0.000000e+00> : vector<1024xf32>
    %reduce_sum3A_530 = vector.multi_reduction <add>, %exp23A_528, %reduce_sum3A_529 [0] : vector<625x1024xf32> to vector<1024xf32>
    %broadcast_in_dim3A_531 = vector.shape_cast %reduce_sum3A_530 : vector<1024xf32> to vector<1x1024xf32>
    %add3A_532 = arith.addf %mul3A_525, %broadcast_in_dim3A_531 : vector<1x1024xf32>
    %get3A_533 = arith.constant 17500 : index
    %get3A_534 = arith.constant 0 : index
    %get3A_535 = vector.load %arg4[%get3A_533, %get3A_534] : memref<20000x32xf32, #tpu.memory_space<vmem>>, vector<625x32xf32>
    %dot_general3A_536 = arith.constant dense<0.000000e+00> : vector<625x1024xf32>
    %dot_general3A_537 = tpu.matmul %get3A_535, %get3A_3, %dot_general3A_536 {dimension_numbers = #tpu.dot_dimension_numbers<[1], [1], [0], [0], [0, 0, 1, 0], [], []>, transpose_lhs_hint = false} : vector<625x32xf32>, vector<1024x32xf32>, vector<625x1024xf32> -> vector<625x1024xf32>
    %reduce_max3A_538 = arith.constant dense<0xFF800000> : vector<1024xf32>
    %reduce_max3A_539 = vector.multi_reduction <maximumf>, %dot_general3A_537, %reduce_max3A_538 [0] : vector<625x1024xf32> to vector<1024xf32>
    %broadcast_in_dim3A_540 = vector.shape_cast %reduce_max3A_539 : vector<1024xf32> to vector<1x1024xf32>
    %max3A_541 = arith.maximumf %max3A_522, %broadcast_in_dim3A_540 : vector<1x1024xf32>
    %sub3A_542 = arith.subf %max3A_522, %max3A_541 : vector<1x1024xf32>
    %exp23A_543 = math.exp2 %sub3A_542 : vector<1x1024xf32>
    %mul3A_544 = arith.mulf %add3A_532, %exp23A_543 : vector<1x1024xf32>
    %sub3A_545 = vector.broadcast %max3A_541 : vector<1x1024xf32> to vector<625x1024xf32>
    %sub3A_546 = arith.subf %dot_general3A_537, %sub3A_545 : vector<625x1024xf32>
    %exp23A_547 = math.exp2 %sub3A_546 : vector<625x1024xf32>
    %reduce_sum3A_548 = arith.constant dense<0.000000e+00> : vector<1024xf32>
    %reduce_sum3A_549 = vector.multi_reduction <add>, %exp23A_547, %reduce_sum3A_548 [0] : vector<625x1024xf32> to vector<1024xf32>
    %broadcast_in_dim3A_550 = vector.shape_cast %reduce_sum3A_549 : vector<1024xf32> to vector<1x1024xf32>
    %add3A_551 = arith.addf %mul3A_544, %broadcast_in_dim3A_550 : vector<1x1024xf32>
    %get3A_552 = arith.constant 18125 : index
    %get3A_553 = arith.constant 0 : index
    %get3A_554 = vector.load %arg4[%get3A_552, %get3A_553] : memref<20000x32xf32, #tpu.memory_space<vmem>>, vector<625x32xf32>
    %dot_general3A_555 = arith.constant dense<0.000000e+00> : vector<625x1024xf32>
    %dot_general3A_556 = tpu.matmul %get3A_554, %get3A_3, %dot_general3A_555 {dimension_numbers = #tpu.dot_dimension_numbers<[1], [1], [0], [0], [0, 0, 1, 0], [], []>, transpose_lhs_hint = false} : vector<625x32xf32>, vector<1024x32xf32>, vector<625x1024xf32> -> vector<625x1024xf32>
    %reduce_max3A_557 = arith.constant dense<0xFF800000> : vector<1024xf32>
    %reduce_max3A_558 = vector.multi_reduction <maximumf>, %dot_general3A_556, %reduce_max3A_557 [0] : vector<625x1024xf32> to vector<1024xf32>
    %broadcast_in_dim3A_559 = vector.shape_cast %reduce_max3A_558 : vector<1024xf32> to vector<1x1024xf32>
    %max3A_560 = arith.maximumf %max3A_541, %broadcast_in_dim3A_559 : vector<1x1024xf32>
    %sub3A_561 = arith.subf %max3A_541, %max3A_560 : vector<1x1024xf32>
    %exp23A_562 = math.exp2 %sub3A_561 : vector<1x1024xf32>
    %mul3A_563 = arith.mulf %add3A_551, %exp23A_562 : vector<1x1024xf32>
    %sub3A_564 = vector.broadcast %max3A_560 : vector<1x1024xf32> to vector<625x1024xf32>
    %sub3A_565 = arith.subf %dot_general3A_556, %sub3A_564 : vector<625x1024xf32>
    %exp23A_566 = math.exp2 %sub3A_565 : vector<625x1024xf32>
    %reduce_sum3A_567 = arith.constant dense<0.000000e+00> : vector<1024xf32>
    %reduce_sum3A_568 = vector.multi_reduction <add>, %exp23A_566, %reduce_sum3A_567 [0] : vector<625x1024xf32> to vector<1024xf32>
    %broadcast_in_dim3A_569 = vector.shape_cast %reduce_sum3A_568 : vector<1024xf32> to vector<1x1024xf32>
    %add3A_570 = arith.addf %mul3A_563, %broadcast_in_dim3A_569 : vector<1x1024xf32>
    %get3A_571 = arith.constant 18750 : index
    %get3A_572 = arith.constant 0 : index
    %get3A_573 = vector.load %arg4[%get3A_571, %get3A_572] : memref<20000x32xf32, #tpu.memory_space<vmem>>, vector<625x32xf32>
    %dot_general3A_574 = arith.constant dense<0.000000e+00> : vector<625x1024xf32>
    %dot_general3A_575 = tpu.matmul %get3A_573, %get3A_3, %dot_general3A_574 {dimension_numbers = #tpu.dot_dimension_numbers<[1], [1], [0], [0], [0, 0, 1, 0], [], []>, transpose_lhs_hint = false} : vector<625x32xf32>, vector<1024x32xf32>, vector<625x1024xf32> -> vector<625x1024xf32>
    %reduce_max3A_576 = arith.constant dense<0xFF800000> : vector<1024xf32>
    %reduce_max3A_577 = vector.multi_reduction <maximumf>, %dot_general3A_575, %reduce_max3A_576 [0] : vector<625x1024xf32> to vector<1024xf32>
    %broadcast_in_dim3A_578 = vector.shape_cast %reduce_max3A_577 : vector<1024xf32> to vector<1x1024xf32>
    %max3A_579 = arith.maximumf %max3A_560, %broadcast_in_dim3A_578 : vector<1x1024xf32>
    %sub3A_580 = arith.subf %max3A_560, %max3A_579 : vector<1x1024xf32>
    %exp23A_581 = math.exp2 %sub3A_580 : vector<1x1024xf32>
    %mul3A_582 = arith.mulf %add3A_570, %exp23A_581 : vector<1x1024xf32>
    %sub3A_583 = vector.broadcast %max3A_579 : vector<1x1024xf32> to vector<625x1024xf32>
    %sub3A_584 = arith.subf %dot_general3A_575, %sub3A_583 : vector<625x1024xf32>
    %exp23A_585 = math.exp2 %sub3A_584 : vector<625x1024xf32>
    %reduce_sum3A_586 = arith.constant dense<0.000000e+00> : vector<1024xf32>
    %reduce_sum3A_587 = vector.multi_reduction <add>, %exp23A_585, %reduce_sum3A_586 [0] : vector<625x1024xf32> to vector<1024xf32>
    %broadcast_in_dim3A_588 = vector.shape_cast %reduce_sum3A_587 : vector<1024xf32> to vector<1x1024xf32>
    %add3A_589 = arith.addf %mul3A_582, %broadcast_in_dim3A_588 : vector<1x1024xf32>
    %get3A_590 = arith.constant 19375 : index
    %get3A_591 = arith.constant 0 : index
    %get3A_592 = vector.load %arg4[%get3A_590, %get3A_591] : memref<20000x32xf32, #tpu.memory_space<vmem>>, vector<625x32xf32>
    %dot_general3A_593 = arith.constant dense<0.000000e+00> : vector<625x1024xf32>
    %dot_general3A_594 = tpu.matmul %get3A_592, %get3A_3, %dot_general3A_593 {dimension_numbers = #tpu.dot_dimension_numbers<[1], [1], [0], [0], [0, 0, 1, 0], [], []>, transpose_lhs_hint = false} : vector<625x32xf32>, vector<1024x32xf32>, vector<625x1024xf32> -> vector<625x1024xf32>
    %reduce_max3A_595 = arith.constant dense<0xFF800000> : vector<1024xf32>
    %reduce_max3A_596 = vector.multi_reduction <maximumf>, %dot_general3A_594, %reduce_max3A_595 [0] : vector<625x1024xf32> to vector<1024xf32>
    %broadcast_in_dim3A_597 = vector.shape_cast %reduce_max3A_596 : vector<1024xf32> to vector<1x1024xf32>
    %max3A_598 = arith.maximumf %max3A_579, %broadcast_in_dim3A_597 : vector<1x1024xf32>
    %sub3A_599 = arith.subf %max3A_579, %max3A_598 : vector<1x1024xf32>
    %exp23A_600 = math.exp2 %sub3A_599 : vector<1x1024xf32>
    %mul3A_601 = arith.mulf %add3A_589, %exp23A_600 : vector<1x1024xf32>
    %sub3A_602 = vector.broadcast %max3A_598 : vector<1x1024xf32> to vector<625x1024xf32>
    %sub3A_603 = arith.subf %dot_general3A_594, %sub3A_602 : vector<625x1024xf32>
    %exp23A_604 = math.exp2 %sub3A_603 : vector<625x1024xf32>
    %reduce_sum3A_605 = arith.constant dense<0.000000e+00> : vector<1024xf32>
    %reduce_sum3A_606 = vector.multi_reduction <add>, %exp23A_604, %reduce_sum3A_605 [0] : vector<625x1024xf32> to vector<1024xf32>
    %broadcast_in_dim3A_607 = vector.shape_cast %reduce_sum3A_606 : vector<1024xf32> to vector<1x1024xf32>
    %add3A_608 = arith.addf %mul3A_601, %broadcast_in_dim3A_607 : vector<1x1024xf32>
    %swap3A = arith.constant 0 : index
    %swap3A_609 = arith.constant 0 : index
    %swap3A_610 = vector.load %arg7[%swap3A, %swap3A_609] : memref<1x1024xf32, #tpu.memory_space<vmem>>, vector<1x1024xf32>
    tpu.vector_store %arg7[%swap3A, %swap3A_609], %max3A_598 {strides = array<i32>} : memref<1x1024xf32, #tpu.memory_space<vmem>>, vector<1x1024xf32>,
    %swap3A_611 = arith.constant 0 : index
    %swap3A_612 = arith.constant 0 : index
    %swap3A_613 = vector.load %arg8[%swap3A_611, %swap3A_612] : memref<1x1024xf32, #tpu.memory_space<vmem>>, vector<1x1024xf32>
    tpu.vector_store %arg8[%swap3A_611, %swap3A_612], %add3A_608 {strides = array<i32>} : memref<1x1024xf32, #tpu.memory_space<vmem>>, vector<1x1024xf32>,
    %eq3A_614 = arith.constant 4 : i32
    %eq3A_615 = arith.cmpi eq, %arg0, %eq3A_614 : i32
    %convert_element_type3A_616 = arith.extui %eq3A_615 : i1 to i32
    %cond3A_617 = arith.constant 0 : i32
    %cond3A_618 = arith.cmpi ne, %convert_element_type3A_616, %cond3A_617 : i32
    scf.if %cond3A_618 {
      %get3A_619 = arith.constant 0 : index
      %get3A_620 = arith.constant 0 : index
      %get3A_621 = vector.load %arg7[%get3A_619, %get3A_620] : memref<1x1024xf32, #tpu.memory_space<vmem>>, vector<1x1024xf32>
      %mul3A_622 = arith.constant 0.693147182 : f32
      %mul3A_623 = vector.broadcast %mul3A_622 : f32 to vector<1x1024xf32>
      %mul3A_624 = arith.mulf %mul3A_623, %get3A_621 : vector<1x1024xf32>
      %get3A_625 = arith.constant 0 : index
      %get3A_626 = arith.constant 0 : index
      %get3A_627 = vector.load %arg8[%get3A_625, %get3A_626] : memref<1x1024xf32, #tpu.memory_space<vmem>>, vector<1x1024xf32>
      %log3A = math.log %get3A_627 : vector<1x1024xf32>
      %add3A_628 = arith.addf %mul3A_624, %log3A : vector<1x1024xf32>
      %get3A_629 = arith.constant 0 : index
      %get3A_630 = arith.constant 0 : index
      %get3A_631 = vector.load %arg2[%get3A_629, %get3A_630] : memref<1024x1xi32, #tpu.memory_space<vmem>>, vector<1024x1xi32>
      %and3A = arith.constant 3 : i32
      %and3A_632 = vector.broadcast %and3A : i32 to vector<1024x1xi32>
      %and3A_633 = arith.andi %get3A_631, %and3A_632 : vector<1024x1xi32>
      %get3A_634 = arith.constant 0 : index
      %get3A_635 = arith.constant 0 : index
      %get3A_636 = vector.load %arg3[%get3A_634, %get3A_635] : memref<1024x128xf32, #tpu.memory_space<vmem>>, vector<1024x128xf32>
      %broadcast_in_dim3A_637 = arith.constant 0.000000e+00 : f32
      %broadcast_in_dim3A_638 = vector.broadcast %broadcast_in_dim3A_637 : f32 to vector<1024x1xf32>
      %slice3A = vector.extract_strided_slice %get3A_636 {offsets = [0, 0], sizes = [1024, 32], strides = [1, 1]} : vector<1024x128xf32> to vector<1024x32xf32>
      %mul3A_639 = arith.mulf %get3A_3, %slice3A : vector<1024x32xf32>
      %reduce_sum3A_640 = arith.constant dense<0.000000e+00> : vector<1024xf32>
      %reduce_sum3A_641 = vector.multi_reduction <add>, %mul3A_639, %reduce_sum3A_640 [1] : vector<1024x32xf32> to vector<1024xf32>
      %broadcast_in_dim3A_642 = vector.shape_cast %reduce_sum3A_641 : vector<1024xf32> to vector<1024x1xf32>
      %eq3A_643 = arith.constant 0 : i32
      %eq3A_644 = vector.broadcast %eq3A_643 : i32 to vector<1024x1xi32>
      %eq3A_645 = arith.cmpi eq, %and3A_633, %eq3A_644 : vector<1024x1xi32>
      %select_n3A = arith.select %eq3A_645, %broadcast_in_dim3A_642, %broadcast_in_dim3A_638 : vector<1024x1xi1>, vector<1024x1xf32>
      %slice3A_646 = vector.extract_strided_slice %get3A_636 {offsets = [0, 32], sizes = [1024, 32], strides = [1, 1]} : vector<1024x128xf32> to vector<1024x32xf32>
      %mul3A_647 = arith.mulf %get3A_3, %slice3A_646 : vector<1024x32xf32>
      %reduce_sum3A_648 = arith.constant dense<0.000000e+00> : vector<1024xf32>
      %reduce_sum3A_649 = vector.multi_reduction <add>, %mul3A_647, %reduce_sum3A_648 [1] : vector<1024x32xf32> to vector<1024xf32>
      %broadcast_in_dim3A_650 = vector.shape_cast %reduce_sum3A_649 : vector<1024xf32> to vector<1024x1xf32>
      %eq3A_651 = arith.constant 1 : i32
      %eq3A_652 = vector.broadcast %eq3A_651 : i32 to vector<1024x1xi32>
      %eq3A_653 = arith.cmpi eq, %and3A_633, %eq3A_652 : vector<1024x1xi32>
      %select_n3A_654 = arith.select %eq3A_653, %broadcast_in_dim3A_650, %select_n3A : vector<1024x1xi1>, vector<1024x1xf32>
      %slice3A_655 = vector.extract_strided_slice %get3A_636 {offsets = [0, 64], sizes = [1024, 32], strides = [1, 1]} : vector<1024x128xf32> to vector<1024x32xf32>
      %mul3A_656 = arith.mulf %get3A_3, %slice3A_655 : vector<1024x32xf32>
      %reduce_sum3A_657 = arith.constant dense<0.000000e+00> : vector<1024xf32>
      %reduce_sum3A_658 = vector.multi_reduction <add>, %mul3A_656, %reduce_sum3A_657 [1] : vector<1024x32xf32> to vector<1024xf32>
      %broadcast_in_dim3A_659 = vector.shape_cast %reduce_sum3A_658 : vector<1024xf32> to vector<1024x1xf32>
      %eq3A_660 = arith.constant 2 : i32
      %eq3A_661 = vector.broadcast %eq3A_660 : i32 to vector<1024x1xi32>
      %eq3A_662 = arith.cmpi eq, %and3A_633, %eq3A_661 : vector<1024x1xi32>
      %select_n3A_663 = arith.select %eq3A_662, %broadcast_in_dim3A_659, %select_n3A_654 : vector<1024x1xi1>, vector<1024x1xf32>
      %slice3A_664 = vector.extract_strided_slice %get3A_636 {offsets = [0, 96], sizes = [1024, 32], strides = [1, 1]} : vector<1024x128xf32> to vector<1024x32xf32>
      %mul3A_665 = arith.mulf %get3A_3, %slice3A_664 : vector<1024x32xf32>
      %reduce_sum3A_666 = arith.constant dense<0.000000e+00> : vector<1024xf32>
      %reduce_sum3A_667 = vector.multi_reduction <add>, %mul3A_665, %reduce_sum3A_666 [1] : vector<1024x32xf32> to vector<1024xf32>
      %broadcast_in_dim3A_668 = vector.shape_cast %reduce_sum3A_667 : vector<1024xf32> to vector<1024x1xf32>
      %eq3A_669 = arith.constant 3 : i32
      %eq3A_670 = vector.broadcast %eq3A_669 : i32 to vector<1024x1xi32>
      %eq3A_671 = arith.cmpi eq, %and3A_633, %eq3A_670 : vector<1024x1xi32>
      %select_n3A_672 = arith.select %eq3A_671, %broadcast_in_dim3A_668, %select_n3A_663 : vector<1024x1xi1>, vector<1024x1xf32>
      %transpose3A = tpu.transpose %select_n3A_672, [1, 0] : vector<1024x1xf32> -> vector<1x1024xf32>
      %mul3A_673 = arith.constant 0.693147182 : f32
      %mul3A_674 = vector.broadcast %mul3A_673 : f32 to vector<1x1024xf32>
      %mul3A_675 = arith.mulf %transpose3A, %mul3A_674 : vector<1x1024xf32>
      %sub3A_676 = arith.subf %add3A_628, %mul3A_675 : vector<1x1024xf32>
      %swap3A_677 = arith.constant 0 : index
      %swap3A_678 = arith.constant 0 : index
      %swap3A_679 = vector.load %arg5[%swap3A_677, %swap3A_678] : memref<1x1024xf32, #tpu.memory_space<vmem>>, vector<1x1024xf32>
      tpu.vector_store %arg5[%swap3A_677, %swap3A_678], %sub3A_676 {strides = array<i32>} : memref<1x1024xf32, #tpu.memory_space<vmem>>, vector<1x1024xf32>,
    } else {
    }
    return
  }
  func.func @transform_0(%arg0: i32) -> (i32, i32) {
    %c0_i32 = arith.constant 0 : i32
    %c0_i32_0 = arith.constant 0 : i32
    %c0_i32_1 = arith.constant 0 : i32
    return %c0_i32, %c0_i32_0 : i32, i32
  }
  func.func @transform_1(%arg0: i32) -> (i32, i32) {
    %c0_i32 = arith.constant 0 : i32
    %c0_i32_0 = arith.constant 0 : i32
    %c0_i32_1 = arith.constant 0 : i32
    return %c0_i32, %c0_i32_0 : i32, i32
  }
  func.func @transform_2(%arg0: i32) -> (i32, i32) {
    %c0_i32 = arith.constant 0 : i32
    %c0_i32_0 = arith.constant 0 : i32
    %c0_i32_1 = arith.constant 0 : i32
    return %c0_i32, %c0_i32_0 : i32, i32
  }
  func.func @transform_3(%arg0: i32) -> (i32, i32) {
    %c0_i32 = arith.constant 0 : i32
    %c0_i32_0 = arith.constant 0 : i32
    return %arg0, %c0_i32 : i32, i32
  }
  func.func @transform_4(%arg0: i32) -> (i32, i32) {
    %c0_i32 = arith.constant 0 : i32
    %c0_i32_0 = arith.constant 0 : i32
    %c0_i32_1 = arith.constant 0 : i32
    return %c0_i32, %c0_i32_0 : i32, i32
  }
}

</mosaic_0001>

<sc_bundles>
// kernel: kernel.4.cloned.1.call-start
scs
__scs_entry_jumppad:
0x0: {  	(pc) =	sbr.rel $0x88, $3  }
0x1: {  	(tag) =	ssettag $0x0;
	lr =	simm.s32 $0x1  }
0x2: {  	[smem:$0x3F9E] =	sst lr;
	_ =	strace $0xD0000000  }
0x3: {  	_ = 	snop  }
0x4: {  	_ = 	snop  }
0x5: {  	_ = 	snop  }
0x6: {  	_ = 	snop  }
0x7: {  	_ = 	snop  }
__scs_overlays_trampoline_lowered:
0x8: {  	[smem:$0x3FAD] =	sst s0  }
0x9: {  	[smem:$0x3FAE] =	sst s1  }
0xa: {  	[smem:$0x3FAF] =	sst s2  }
0xb: {  	[smem:$0x3FB0] =	sst s3  }
0xc: {  	[smem:$0x3FB1] =	sst s4  }
0xd: {  	[smem:$0x3FB2] =	sst s5  }
0xe: {  	[smem:$0x3FB3] =	sst s6  }
0xf: {  	[smem:$0x3FB4] =	sst s7  }
0x10: {  	[smem:$0x3FB5] =	sst s8  }
0x11: {  	[smem:$0x3FB6] =	sst s9;
	s0 =	simm.s32 @!p0 $0x0  }
0x12: {  	s1 =	sld [smem:$0x3F9C];
	s0 =	simm.s32 @p0 $0x1  }
0x13: {  	[smem:$0x3FB7] =	sst s0;
	s0 =	simm.s32 @!p1 $0x0  }
0x14: {  	s2 =	sld [smem:$0x3F9B];
	s0 =	simm.s32 @p1 $0x1  }
0x15: {  	[smem:$0x3FB8] =	sst s0;
	s0 =	simm.s32 @!p2 $0x0  }
0x16: {  	s3 =	sld [smem:$0x3FDB];
	s0 =	simm.s32 @p2 $0x1  }
0x17: {  	s4 =	simm.s32 $0x1BF5;
	[smem:$0x3FBA] =	sst s0  }
0x18: {  	s0 =	sld [smem:$0x3F9D];
	_ =	swait.ge [sflag:s4], $0x0  }
0x19: {  	s7 =	sld [smem:$0x3F9E]  }
0x1a: {  	s8 =	sadd.s32 $0xFFFFE003, lr  }
0x1b: {  	s9 =	sadd.s32 $0xFFFFFEF7, lr;
	s5 =	simm.s32 $0xFFFFFFFF;
	p2 =	slt.u32 s8, $0xFFFFF086  }
0x1c: {  	p1 =	slt.u32 s9, $0xF7A;
	s5 =	simm.s32 @!p2 $0x0  }
0x1d: {  	s5 =	simm.s32 @p1 $0x1;
	p0 =	seq.s32 s7, s2  }
0x1e: {  	s7 =	smul.u32 @!p0 $0xF7A, s2;
	p2 =	seq.s32 @!p0 s5, $0x0  }
0x1f: {  	s9 =	smul.u32 $0xF7A, s1;
	s8 =	simm.s32 @!p0 $0x1BF5;
	p2 =	por !p2, p0  }
0x20: {  	[sflag:s8] =	ssyncset.s32 @!p0 $0xFFFFF086;
	s6 =	sadd.s32 @!p0 s3, s7;
	s7 =	simm.s32 @!p0 $0x108  }
0x21: {  	s3 =	sadd.s32 s3, s9;
	s6 =	sadd.s32 @!p0 $0x88, s6;
	s7 =	simm.s32 @p2 $0x1082  }
0x22: {  	[simem:s7], [sflag:s8] =	dma.local @!p0 [hbm:s6], $0xF7A  }
0x23: {  	s9 =	sor.u32 $0xD0000000, s2;
	s6 =	simm.s32 $0x108;
	_ =	swait.ge @!p0 [sflag:s8], $0x0  }
0x24: {  	s3 =	sadd.s32 $0x88, s3;
	s6 =	simm.s32 @!p1 $0x1082;
	[sflag:s4] =	ssyncset.s32 $0xFFFFF086  }
0x25: {  	[simem:s6], [sflag:s4] =	dma.local [hbm:s3], $0xF7A  }
0x26: {  	[smem:$0x3F9E] =	sst s1;
	(tag) =	ssettag s2;
	_ =	strace s9  }
0x27: {  	s1 =	sld [smem:$0x3FAE]  }
0x28: {  	s2 =	sld [smem:$0x3FAF]  }
0x29: {  	s4 =	sld [smem:$0x3FB1]  }
0x2a: {  	p0 =	seq.s32 s5, $0x0;
	s5 =	sld [smem:$0x3FB2]  }
0x2b: {  	s6 =	sld [smem:$0x3FB3]  }
0x2c: {  	s7 =	sld [smem:$0x3FB4]  }
0x2d: {  	s3 =	simm.s32 $0x108;
	s8 =	sld [smem:$0x3FB5]  }
0x2e: {  	s3 =	simm.s32 @!p0 $0x1082;
	s9 =	sld [smem:$0x3FB6]  }
0x2f: {  	lr =	sadd.s32 s0, s3;
	s0 =	sld [smem:$0x3FAD]  }
0x30: {  	s3 =	sld [smem:$0x3FB0]  }
0x31: {  	[smem:$0x3FB9] =	sst s10  }
0x32: {  	s10 =	sld [smem:$0x3FB7];
	_ =	sdelay $0x3  }
0x33: {  	p0 =	seq.s32 s10, $0x1;
	s10 =	sld [smem:$0x3FB9];
	_ =	sdelay $0x3  }
0x34: {  	[smem:$0x3FB9] =	sst s10  }
0x35: {  	s10 =	sld [smem:$0x3FB8];
	_ =	sdelay $0x3  }
0x36: {  	p1 =	seq.s32 s10, $0x1;
	s10 =	sld [smem:$0x3FB9];
	_ =	sdelay $0x3  }
0x37: {  	[smem:$0x3FB9] =	sst s10  }
0x38: {  	s10 =	sld [smem:$0x3FBA]  }
0x39: {  	_ = 	snop;
	(pc) =	sbr.ind lr, $3  }
0x3a: {  	_ = 	snop  }
0x3b: {  	_ = 	snop  }
0x3c: {  	p2 =	seq.s32 s10, $0x1;
	s10 =	sld [smem:$0x3FB9]  }
0x3d: {  	_ =	shalt  }
0x3e: {  	_ =	shalt  }
0x3f: {  	_ =	shalt  }
0x40: {  	_ =	shalt  }
0x41: {  	_ =	shalt  }
0x42: {  	_ =	shalt  }
0x43: {  	_ =	shalt  }
0x44: {  	_ =	shalt  }
0x45: {  	_ =	shalt  }
0x46: {  	_ =	shalt  }
0x47: {  	_ =	shalt  }
0x48: {  	_ =	shalt  }
0x49: {  	_ =	shalt  }
0x4a: {  	_ =	shalt  }
0x4b: {  	_ =	shalt  }
0x4c: {  	_ =	shalt  }
0x4d: {  	_ =	shalt  }
0x4e: {  	_ =	shalt  }
0x4f: {  	_ =	shalt  }
0x50: {  	_ =	shalt  }
0x51: {  	_ =	shalt  }
0x52: {  	_ =	shalt  }
0x53: {  	_ =	shalt  }
0x54: {  	_ =	shalt  }
0x55: {  	_ =	shalt  }
0x56: {  	_ =	shalt  }
0x57: {  	_ =	shalt  }
0x58: {  	_ =	shalt  }
0x59: {  	_ =	shalt  }
0x5a: {  	_ =	shalt  }
0x5b: {  	_ =	shalt  }
0x5c: {  	_ =	shalt  }
0x5d: {  	_ =	shalt  }
0x5e: {  	_ =	shalt  }
0x5f: {  	_ =	shalt  }
0x60: {  	_ =	shalt  }
0x61: {  	_ =	shalt  }
0x62: {  	_ =	shalt  }
0x63: {  	_ =	shalt  }
0x64: {  	_ =	shalt  }
0x65: {  	_ =	shalt  }
0x66: {  	_ =	shalt  }
0x67: {  	_ =	shalt  }
0x68: {  	_ =	shalt  }
0x69: {  	_ =	shalt  }
0x6a: {  	_ =	shalt  }
0x6b: {  	_ =	shalt  }
0x6c: {  	_ =	shalt  }
0x6d: {  	_ =	shalt  }
0x6e: {  	_ =	shalt  }
0x6f: {  	_ =	shalt  }
0x70: {  	_ =	shalt  }
0x71: {  	_ =	shalt  }
0x72: {  	_ =	shalt  }
0x73: {  	_ =	shalt  }
0x74: {  	_ =	shalt  }
0x75: {  	_ =	shalt  }
0x76: {  	_ =	shalt  }
0x77: {  	_ =	shalt  }
0x78: {  	_ =	shalt  }
0x79: {  	_ =	shalt  }
0x7a: {  	_ =	shalt  }
0x7b: {  	_ =	shalt  }
0x7c: {  	_ =	shalt  }
0x7d: {  	_ =	shalt  }
0x7e: {  	_ =	shalt  }
0x7f: {  	_ =	shalt  }
0x80: {  	_ =	shalt  }
0x81: {  	_ =	shalt  }
0x82: {  	_ =	shalt  }
0x83: {  	_ =	shalt  }
0x84: {  	_ =	shalt  }
0x85: {  	_ =	shalt  }
0x86: {  	_ =	shalt  }
0x87: {  	_ =	shalt  }
.Lfunc_end0:
.L_simem_size_0:
called_computation_lowered:
.L_overlay_start_0:
0x88: {  	s0 =	sld [smem:$0x3FD9]  }
0x89: {  	s1 =	sld [smem:$0x3FFE];
	_ =	sdelay $0x3  }
0x8a: {  	s0 =	sadd.s32 s1, s0  }
0x8b: {  	[smem:$0x3FC5] =	sst s0  }
0x8c: {  	_ = 	snop  }
0x8d: {  	s0 =	sld [smem:$0x3FC8];
	(tm) =	ssettm $0x1  }
0x8e: {  	s16 =	sld [smem:$0x3FFB];
	_ =	sdelay $0x3  }
0x8f: {  	_ =	strace s16  }
0x90: {  	s1 =	sld [smem:$0x3FFC];
	_ =	sdelay $0x3  }
0x91: {  	_ =	strace s1  }
0x92: {  	s1 =	sld [smem:$0x3FFD];
	_ =	sdelay $0x3  }
0x93: {  	_ =	strace s1  }
0x94: {  	_ =	strace $0x8FFFFFFF  }
0x95: {  	s17 =	sld [smem:$0x3FDB];
	_ =	sdelay $0x1  }
0x96: {  	s2 =	simm.s32 $_scs_section_size  }
0x97: {  	s3 =	simm.s32 $_size__tile_overlayer_lowered;
	s4 =	simm.s32 $_tile_overlayer_lowered  }
0x98: {  	s20 =	simm.s32 $0x1BFF;
	s19 =	sshll.u32 s4, $0x1;
	s1 =	sadd.s32 s2, s17  }
0x99: {  	s5 =	simm.s32 $0x0;
	s18 =	sshll.u32 s3, $0x1;
	s3 =	sadd.s32 s19, s1  }
0x9a: {  	[timem:s5], [sflag:s20] =	dma.local [hbm:s3], s18  }
0x9b: {  	_ =	swait.ge [sflag:s20], s18  }
0x9c: {  	s2 =	ssub.s32 $0x0, s18;
	[sflag:s20] =	ssyncset.done $0x0  }
0x9d: {  	[sflag:s20] =	ssyncadd.s32 s2;
	_ =	sdelay $0x1  }
0x9e: {  	s21 =	simm.s32 $0x1B8B  }
0x9f: {  	_ =	swait.ge [sflag:s21], $0x1  }
0xa0: {  	[sflag:s21] =	ssyncset.done $0x0  }
0xa1: {  	s23 =	simm.s32 $0x1B8E;
	s22 =	sld [smem:$0x3FFE];
	[sflag:s21] =	ssyncadd.s32 $0xFFFFFFFF  }
0xa2: {  	s24 =	simm.s32 $execute0_lowered;
	[smem:$0x3FD2] =	sst s23  }
0xa3: {  	s3 =	sshll.u32 s24, $0x1;
	_ =	strace $0x80000046;
	[dreg:$0x1] =	wrdreg $0xFFFFFFFF  }
0xa4: {  	s25 =	simm.s32 $_size_execute0_lowered;
	s1 =	sadd.s32 s1, s3;
	[dreg:$0x0] =	wrdreg $0x0  }
0xa5: {  	s3 =	sshll.u32 s25, $0x1;
	[dreg:$0x2] =	wrdreg s1  }
0xa6: {  	[dreg:$0x3] =	wrdreg s3  }
0xa7: {  	[dreg:$0x4] =	wrdreg $0xC0  }
0xa8: {  	_ =	task [dreg:s5], $0x5FFFF  }
0xa9: {  	[dreg:$0x1] =	wrdreg $0xFFFFFFFF  }
0xaa: {  	[dreg:$0x0] =	wrdreg $0x60  }
0xab: {  	[dreg:$0x2] =	wrdreg s0  }
0xac: {  	[dreg:$0x3] =	wrdreg s22  }
0xad: {  	[dreg:$0x4] =	wrdreg $0x9  }
0xae: {  	_ =	task.clear_ibuf [dreg:s5], $0x5FFFF;
	_ =	strace $0x90000046  }
0xaf: {  	s26 =	simm.s32 $0x9;
	_ =	strace $0x80000048  }
0xb0: {  	_ =	swait.ge [sflag:s26], $0x1  }
0xb1: {  	[sflag:s26] =	ssyncadd.s32 $0xFFFFFFFF  }
0xb2: {  	_ =	strace $0x90000048  }
0xb3: {  	_ =	sfence  }
0xb4: {  	s28 =	sld [smem:$0x0];
	_ =	sdelay $0x1  }
0xb5: {  	s29 =	srdreg.scid  }
0xb6: {  	s30 =	sshll.u32 s29, $0xD;
	s31 =	sshrl.u32 s29, $0x2  }
0xb7: {  	s2 =	sand.u32 $0x4000, s30;
	s1 =	sand.u32 $0x1, s29;
	s0 =	sadd.s32 s31, s28  }
0xb8: {  	s1 =	sor.u32 s2, s1;
	s0 =	sshll.u32 s0, $0x11  }
0xb9: {  	s0 =	sor.u32 s0, s1  }
0xba: {  	s0 =	sadd.s32 $0x8F2B, s0  }
0xbb: {  	[sflag:s0] =	ssyncadd.remote.s32 $0x1  }
0xbc: {  	_ =	sfence.sel $0xFFFF  }
0xbd: {  	[dreg:$0x0] =	wrdreg $0xFFFFFFFF;
	(pc) =	sbr.abs _section_cstart, $3  }
0xbe: {  	[dreg:$0x1] =	wrdreg $0xFFFFFFFF  }
0xbf: {  	_ =	task.clear_ibuf [dreg:s5], $0x2FFFF;
	_ =	strace $0x9FFFFFFF  }
0xc0: {  	(tm) =	ssettm $0x7FFFFFFF  }
0xc1: {  	_ =	shalt  }
tec
execute0_lowered:
.L_overlay_start_1:
0x0: {  	(tag) =	ssettag $0x1  }
0x1: {  	s0 =	rddreg [dreg:$0x0]  }
0x2: {  	s1 =	rddreg [dreg:$0x1]  }
0x3: {  	s2 =	rddreg [dreg:$0x2];
	s3 =	simm.s32 $0x0;
	s4 =	stileid.u32  }
0x4: {  	[smem:$0x7FF] =	sst s3;
	s5 =	sshll.u32 s4, $0x3  }
0x5: {  	s28 =	simm.s32 $0x2;
	_ =	strace $0x80000047;
	s0 =	sadd.s32 s0, s5  }
0x6: {  	[tilespmem:s3], [sflag:$0x2] =	stream.linear.gather [hbm4b:s0+s3], $0x40, $0x38;
	[tilespmem:$0x2100] =	vst v63  }
0x7: {  	_ =	swait.ge [sflag:s28], $0x40  }
0x8: {  	[sflag:s28] =	ssyncset.done $0x0  }
0x9: {  	[sflag:s28] =	ssyncadd.s32 $0xFFFFFFC0  }
0xa: {  	v0 =	vld [tilespmem:$0x0]  }
0xb: {  	v1 =	vld [tilespmem:$0x10]  }
0xc: {  	v2 =	vld [tilespmem:$0x20]  }
0xd: {  	v3 =	vld [tilespmem:$0x30];
	_ =	sdelay $0x1  }
0xe: {  	v0 =	vshrl.u32 v0, $0x2  }
0xf: {  	v61 =	vshrl.u32 v1, $0x2;
	[tilespmem:$0x80] =	vst v0  }
0x10: {  	v62 =	vshrl.u32 v2, $0x2;
	[tilespmem:$0x90] =	vst v61  }
0x11: {  	s6 =	simm.s32 $0x40;
	s7 =	simm.s32 $0x80;
	v63 =	vshrl.u32 v3, $0x2;
	[tilespmem:$0xA0] =	vst v62  }
0x12: {  	s8 =	simm.s32 $0x100;
	s30 =	simm.s32 $0x1;
	s29 =	sadd.s32 $0x187000, s1;
	[tilespmem:$0xB0] =	vst v63  }
0x13: {  	[tilespmem:s8], [sflag:$0x1] =	stream.indirect.gather [hbm4b:s29+s6], $0x80, s7, s6, $0xb8;
	[tilespmem:$0x2100] =	vst v63  }
0x14: {  	s31 =	sshll.u32 s4, $0xA;
	_ =	swait.ge [sflag:s30], $0x2000  }
0x15: {  	s1 =	sadd.s32 s31, s1;
	[sflag:s30] =	ssyncset.done $0x0  }
0x16: {  	s1 =	sadd.s32 $0x1E8C00, s1;
	[sflag:s30] =	ssyncadd.s32 $0xFFFFE000  }
0x17: {  	[hbm4b:s1+s3] =	stream.linear.scatter [tilespmem:s8], [sflag:$0x2], $0x2000, $0x38;
	[tilespmem:$0x2100] =	vst v63  }
0x18: {  	_ =	swait.ge [sflag:s28], $0x2000  }
0x19: {  	[sflag:s28] =	ssyncset.done $0x0  }
0x1a: {  	[sflag:s28] =	ssyncadd.s32 $0xFFFFE000  }
0x1b: {  	_ =	sfence.sel $0x180000  }
0x1c: {  	[bflag:$0x0] =	sbarrier.arrive $0xFFFF  }
0x1d: {  	p0 =	sne.s32 s4, $0x0;
	_ =	strace $0x90000047  }
0x1e: {  	s0 =	sadd.s32 @!p0 $0x100000, s2;
	[bflag:$0x2] =	sbarrier.arrive $0xFFFF  }
0x1f: {  	[sflag:s0] =	ssyncadd.tile.s32 @!p0 $0x1;
	_ =	shalt  }
.Lfunc_end2:
_tile_overlayer_lowered:
.L_overlay_start_2:
0x20: {  	(tag) =	ssettag $0x2  }
0x21: {  	s0 =	rddreg [dreg:$0x0];
	s2 =	stileid.u32  }
0x22: {  	s1 =	rddreg [dreg:$0x1];
	p0 =	sne.s32 s2, $0x0  }
0x23: {  	s3 =	rddreg [dreg:$0x2];
	[bflag:$0x3] =	sbarrier.arrive $0xFFFF;
	s2 =	simm.s32 @!p0 $0x1C02  }
0x24: {  	[timem:s3], [sflag:s2] =	dma.local @!p0 [hbm:s0], s1  }
0x25: {  	s0 =	simm.s32 @!p0 $0x2  }
0x26: {  	_ =	swait.ge @!p0 [sflag:s0], s1  }
0x27: {  	s1 =	ssub.s32 @!p0 $0x0, s1;
	[sflag:s0] =	ssyncset.done @!p0 $0x0  }
0x28: {  	[sflag:s0] =	ssyncadd.s32 @!p0 s1  }
0x29: {  	[bflag:$0x3] =	sbarrier.arrive $0xFFFF  }
0x2a: {  	_ =	shalt  }

</sc_bundles>
